<compile_context>
chip_gen: v7x
topology: tpu7x:2x2x1
jax: 0.10.2.dev20260603
libtpu: 0.0.44.dev20260713+nightly
codegen_flags: <defaults>
</compile_context>

<pallas_src>
import functools

import jax
import jax.numpy as jnp
from jax import lax
from jax.experimental import pallas as pl
from jax.experimental.pallas import tpu as pltpu
from jax.experimental.pallas import tpu_sc as plsc

_N = 10000
_E = 320000
_D = 128
_G = 128
_K = 512
_C = 10
_GAMMA = 0.5
_CW = 0.25

_CHUNK = 128
_NC, _NS = 2, 16
_NW = _NC * _NS
_NCHP = 2560
_EP = _NCHP * _CHUNK
_NT1 = _NCHP // _NW
_NT2 = _NCHP // _NS
_W = 40

_ZR = 632
_ACCR = _ZR * _NS
_WR = 624

_BN = 2000
_NB = _N // _BN

_HI = jax.lax.Precision.HIGHEST

_MESH = dict(core_axis_name="c", subcore_axis_name="s",
             num_cores=_NC, num_subcores=_NS)

_SEG_SCRATCH = [
    pltpu.VMEM((_W, _CHUNK), jnp.int32),
    pltpu.VMEM((_W, _CHUNK), jnp.int32),
    pltpu.VMEM((_CHUNK, _D), jnp.float32),
    pltpu.VMEM((_CHUNK, _D), jnp.float32),
    pltpu.VMEM_SHARED((_ACCR, _D), jnp.float32),
    pltpu.SemaphoreType.DMA,
    pltpu.SemaphoreType.DMA,
]


def _edge_loop(h_hbm, sidx, didx, rows0, rows1, sem0, sem1, acc, n):
    pltpu.async_copy(h_hbm.at[sidx.at[0]], rows0, sem0)

    def body(jj, carry):
        j0 = jj * 2
        pltpu.async_copy(h_hbm.at[sidx.at[j0 + 1]], rows1, sem1)
        pltpu.make_async_copy(h_hbm.at[sidx.at[j0]], rows0, sem0).wait()
        pltpu.sync_copy(rows0, acc.at[didx.at[j0]], add=True)

        @pl.when(j0 + 2 < n)
        def _():
            pltpu.async_copy(h_hbm.at[sidx.at[j0 + 2]], rows0, sem0)

        pltpu.make_async_copy(h_hbm.at[sidx.at[j0 + 1]], rows1, sem1).wait()
        pltpu.sync_copy(rows1, acc.at[didx.at[j0 + 1]], add=True)
        return carry

    lax.fori_loop(0, n // 2, body, 0)


def _zero_acc(rows0, acc, s):

    def zrow(r, carry):
        for l in range(8):
            rows0[r, pl.ds(l * 16, 16)] = jnp.zeros((16,), jnp.float32)
        return carry

    lax.fori_loop(0, _CHUNK, zrow, 0)
    for t in range(4):
        off = pl.multiple_of(s * _ZR + _CHUNK * t, 8)
        pltpu.sync_copy(rows0, acc.at[pl.ds(off, _CHUNK)])
    off = pl.multiple_of(s * _ZR + 4 * _CHUNK, 8)
    pltpu.sync_copy(rows0.at[pl.ds(0, _ZR - 4 * _CHUNK)],
                    acc.at[pl.ds(off, _ZR - 4 * _CHUNK)])


def _window_loop(h_hbm, fetch_idx, base, nwin,
                 sidx, didx, rows0, rows1, sem0, sem1, acc):

    def wbody(wi, carry):
        off = pl.multiple_of(base + wi * _W, 8)
        fetch_idx(off, sidx, didx)
        _edge_loop(h_hbm, sidx, didx, rows0, rows1, sem0, sem1, acc, _W)
        return carry

    lax.fori_loop(0, nwin, wbody, 0)


def _acc_writeout(acc, out_hbm, c, s):
    off = pl.multiple_of(s * _WR, 8)

    @pl.when(s < _NS - 1)
    def _():
        pltpu.sync_copy(acc.at[pl.ds(off, _WR)],
                        out_hbm.at[c, pl.ds(off, _WR)])

    @pl.when(s == _NS - 1)
    def _():
        last = (_NS - 1) * _WR
        pltpu.sync_copy(acc.at[pl.ds(last, _N - last)],
                        out_hbm.at[c, pl.ds(last, _N - last)])


def _segsum_sc(h, src2d, dst2d):

    @functools.partial(
        pl.kernel,
        out_type=jax.ShapeDtypeStruct((_NC, _N, _D), jnp.float32),
        mesh=plsc.VectorSubcoreMesh(**_MESH),
        scratch_types=_SEG_SCRATCH,
    )
    def k(h_hbm, src_hbm, dst_hbm, out_hbm,
          sidx, didx, rows0, rows1, acc, sem0, sem1):
        c = lax.axis_index("c")
        s = lax.axis_index("s")
        _zero_acc(rows0, acc, s)
        plsc.subcore_barrier()

        def fetch(off, si, di):
            pltpu.sync_copy(src_hbm.at[pl.ds(off, _W)], si)
            pltpu.sync_copy(dst_hbm.at[pl.ds(off, _W)], di)

        _window_loop(h_hbm, fetch, (c * _NS + s) * _NT1, _NT1 // _W,
                     sidx, didx, rows0, rows1, sem0, sem1, acc)
        plsc.subcore_barrier()
        _acc_writeout(acc, out_hbm, c, s)

    return k(h, src2d, dst2d)


def _segsum_dual_sc(h2, srcab, dst2d):

    @functools.partial(
        pl.kernel,
        out_type=jax.ShapeDtypeStruct((_NC, _N, _D), jnp.float32),
        mesh=plsc.VectorSubcoreMesh(**_MESH),
        scratch_types=_SEG_SCRATCH,
    )
    def k(h_hbm, src_hbm, dst_hbm, out_hbm,
          sidx, didx, rows0, rows1, acc, sem0, sem1):
        c = lax.axis_index("c")
        s = lax.axis_index("s")
        _zero_acc(rows0, acc, s)
        plsc.subcore_barrier()

        def fetch(off, si, di):
            pltpu.sync_copy(src_hbm.at[c, pl.ds(off, _W)], si)
            pltpu.sync_copy(dst_hbm.at[pl.ds(off, _W)], di)

        _window_loop(h_hbm, fetch, s * _NT2, _NT2 // _W,
                     sidx, didx, rows0, rows1, sem0, sem1, acc)
        plsc.subcore_barrier()
        _acc_writeout(acc, out_hbm, c, s)

    return k(h2, srcab, dst2d)


def _gin_layer2_tc(h_and_spec, aggs, eps2, w1s, b1s, w2s, b2s,
                   premlp=None):
    n_agg = len(aggs[1])

    def body(*refs):
        eps_ref = refs[0]
        h_ref = refs[1]
        agg_refs = refs[2:2 + n_agg]
        w1_ref, b1_ref, w2_ref, b2_ref = refs[2 + n_agg:6 + n_agg]
        if premlp is None:
            (o_ref,) = refs[6 + n_agg:]
        else:
            pw_ref, pb_ref, o_ref, hp_ref, st_ref = refs[6 + n_agg:]
        agg = agg_refs[0][0]
        for r in agg_refs[1:]:
            agg = agg + r[0]
        z = (1.0 + eps_ref[0, 0]) * h_ref[...] + agg
        t = jnp.dot(z, w1_ref[0], preferred_element_type=jnp.float32)
        t = jnp.maximum(t + b1_ref[0], 0.0)
        o = jnp.dot(t, w2_ref[0], preferred_element_type=jnp.float32)
        o = jnp.maximum(o + b2_ref[0], 0.0)
        o_ref[...] = o

        if premlp is not None:
            j = pl.program_id(0)
            i = pl.program_id(1)

            @pl.when(jnp.logical_and(j == 0, i == 0))
            def _():
                st_ref[...] = jnp.zeros_like(st_ref)

            @pl.when(j == 0)
            def _():
                hp = jnp.dot(o, pw_ref[...],
                             preferred_element_type=jnp.float32) + pb_ref[...]
                hp_ref[...] = hp
                st_ref[0:1, :] += jnp.sum(hp, axis=0, keepdims=True)
                st_ref[1:2, :] += jnp.sum(hp * hp, axis=0, keepdims=True)

    h2, h_spec = h_and_spec
    agg_arr, agg_specs = aggs
    in_specs = [
        pl.BlockSpec(memory_space=pltpu.SMEM),
        h_spec,
        *agg_specs,
        pl.BlockSpec((1, _D, 2 * _D), lambda j, i: (j, 0, 0)),
        pl.BlockSpec((1, 1, 2 * _D), lambda j, i: (j, 0, 0)),
        pl.BlockSpec((1, 2 * _D, _D), lambda j, i: (j, 0, 0)),
        pl.BlockSpec((1, 1, _D), lambda j, i: (j, 0, 0)),
    ]
    out_specs = [pl.BlockSpec((_BN, _D), lambda j, i: (j * _NB + i, 0))]
    out_shape = [jax.ShapeDtypeStruct((2 * _N, _D), jnp.float32)]
    args = [eps2, h2, *agg_arr, w1s, b1s.reshape(2, 1, -1), w2s,
            b2s.reshape(2, 1, -1)]
    if premlp is not None:
        pw, pb = premlp
        in_specs += [
            pl.BlockSpec((_D, 2 * _D), lambda j, i: (0, 0)),
            pl.BlockSpec((1, 2 * _D), lambda j, i: (0, 0)),
        ]
        out_specs += [
            pl.BlockSpec((_BN, 2 * _D),
                         lambda j, i: (jnp.where(j == 0, i, _NB), 0)),
            pl.BlockSpec((8, 2 * _D), lambda j, i: (0, 0)),
        ]
        out_shape += [
            jax.ShapeDtypeStruct((_N + _BN, 2 * _D), jnp.float32),
            jax.ShapeDtypeStruct((8, 2 * _D), jnp.float32),
        ]
        args += [pw, pb.reshape(1, -1)]
    out = pl.pallas_call(
        body,
        grid=(2, _NB),
        in_specs=in_specs,
        out_specs=out_specs,
        out_shape=out_shape,
    )(*args)
    return out[0] if premlp is None else out


def _epilogue_tc(hp, stats, bn_g, bn_b, w2, b2, nf2, cb, batch2d,
                 cls_w, cls_b):

    def body(hp_ref, st_ref, g_ref, b_ref, w2_ref, b2_ref, nf_ref, cb_ref,
             bat_ref, w_ref, cb2_ref, cg_ref, sg_ref, sm_ref, cm_ref,
             logit_ref, cgo_ref, sgo_ref, cmt_ref, reg_ref):
        i = pl.program_id(0)

        @pl.when(i == 0)
        def _():
            cg_ref[...] = jnp.zeros_like(cg_ref)
            sg_ref[...] = jnp.zeros_like(sg_ref)
            sm_ref[...] = jnp.zeros_like(sm_ref)
            cm_ref[...] = jnp.zeros_like(cm_ref)

        m = st_ref[0:1, :] * (1.0 / _N)
        v = st_ref[1:2, :] * (1.0 / _N) - m * m
        hpn = (hp_ref[...] - m) * lax.rsqrt(v + 1e-5) * g_ref[...] + b_ref[...]
        hpn = jnp.maximum(hpn, 0.0)
        logits = jnp.dot(hpn, w2_ref[...],
                         preferred_element_type=jnp.float32) + b2_ref[...]
        score = jax.nn.sigmoid(logits)
        pos = jnp.mean(score, axis=1, keepdims=True)

        nfb = nf_ref[...]
        cbm = cb_ref[...]
        cbsq = lax.dot_general(jnp.ones((1, _D), jnp.float32), cbm * cbm,
                               (((1,), (1,)), ((), ())), precision=_HI,
                               preferred_element_type=jnp.float32)
        prox = lax.dot_general(nfb, cbm, (((1,), (1,)), ((), ())),
                               preferred_element_type=jnp.float32)
        dd = cbsq - 2.0 * prox
        minv = jnp.min(dd, axis=1, keepdims=True)
        ik = lax.broadcasted_iota(jnp.int32, dd.shape, 1)
        idx = jnp.min(jnp.where(dd == minv, ik, _K), axis=1, keepdims=True)
        onehot = (ik == idx).astype(jnp.float32)
        q = jnp.dot(onehot, cbm,
                    preferred_element_type=jnp.float32)

        diff = nfb - q
        res = nfb + q
        cpart = res * score
        spart = res * (1.0 - score)

        oh = (lax.broadcasted_iota(jnp.int32, (hp_ref.shape[0], _G), 1)
              == bat_ref[...]).astype(jnp.float32)
        cg_ref[...] += lax.dot_general(oh, cpart, (((0,), (0,)), ((), ())),
                                       preferred_element_type=jnp.float32)
        sg_ref[...] += lax.dot_general(oh, spart, (((0,), (0,)), ((), ())),
                                       preferred_element_type=jnp.float32)
        ph = pos.astype(jnp.bfloat16).astype(jnp.float32)
        rhs = jnp.concatenate(
            [ph, pos - ph, jnp.ones_like(pos),
             jnp.zeros((pos.shape[0], 5), jnp.float32)], axis=1)
        sm_ref[...] += lax.dot_general(oh, rhs, (((0,), (0,)), ((), ())),
                                       preferred_element_type=jnp.float32)
        cm_ref[...] += jnp.full((1, _D), jnp.sum(diff * diff))

        @pl.when(i == _NB - 1)
        def _():
            pos_sum = sm_ref[:, 0:1] + sm_ref[:, 1:2]
            pos_b = pos_sum + 1e-8
            neg_b = sm_ref[:, 2:3] - pos_sum + 1e-8
            inv = 1.0 / jnp.maximum(sm_ref[:, 2:3], 1.0)
            cg = cg_ref[...] * inv
            sg = sg_ref[...] * inv
            cgo_ref[...] = cg
            sgo_ref[...] = sg
            logit_ref[...] = jnp.dot(
                cg, w_ref[...], preferred_element_type=jnp.float32) + cb2_ref[...]
            reg = jnp.mean(jnp.abs(pos_b / (pos_b + neg_b) - _GAMMA))
            reg_ref[...] = jnp.full((1, 1), reg)
            cmt_ref[...] = cm_ref[0:1, 0:1] * (_CW / (_N * _D))

    _c0 = lambda i: (0, 0)
    return pl.pallas_call(
        body,
        grid=(_NB,),
        in_specs=[
            pl.BlockSpec((_BN, 2 * _D), lambda i: (i, 0)),
            pl.BlockSpec((8, 2 * _D), _c0),
            pl.BlockSpec((1, 2 * _D), _c0),
            pl.BlockSpec((1, 2 * _D), _c0),
            pl.BlockSpec((2 * _D, _D), _c0),
            pl.BlockSpec((1, _D), _c0),
            pl.BlockSpec((_BN, _D), lambda i: (_NB + i, 0)),
            pl.BlockSpec((_K, _D), _c0),
            pl.BlockSpec((_BN, 1), lambda i: (i, 0)),
            pl.BlockSpec((_D, _C), _c0),
            pl.BlockSpec((1, _C), _c0),
        ],
        out_specs=[
            pl.BlockSpec((_G, _D), _c0),
            pl.BlockSpec((_G, _D), _c0),
            pl.BlockSpec((_G, 8), _c0),
            pl.BlockSpec((1, _D), _c0),
            pl.BlockSpec((_G, _C), _c0),
            pl.BlockSpec((_G, _D), _c0),
            pl.BlockSpec((_G, _D), _c0),
            pl.BlockSpec((1, 1), _c0),
            pl.BlockSpec((1, 1), _c0),
        ],
        out_shape=[
            jax.ShapeDtypeStruct((_G, _D), jnp.float32),
            jax.ShapeDtypeStruct((_G, _D), jnp.float32),
            jax.ShapeDtypeStruct((_G, 8), jnp.float32),
            jax.ShapeDtypeStruct((1, _D), jnp.float32),
            jax.ShapeDtypeStruct((_G, _C), jnp.float32),
            jax.ShapeDtypeStruct((_G, _D), jnp.float32),
            jax.ShapeDtypeStruct((_G, _D), jnp.float32),
            jax.ShapeDtypeStruct((1, 1), jnp.float32),
            jax.ShapeDtypeStruct((1, 1), jnp.float32),
        ],
    )(hp, stats, bn_g.reshape(1, -1), bn_b.reshape(1, -1), w2,
      b2.reshape(1, -1), nf2, cb, batch2d, cls_w, cls_b.reshape(1, -1))


def _stack2(pa, pb, name):
    return jnp.stack([pa[name], pb[name]])


def kernel(x, edge_index, batch, params):
    npad = _EP - _E
    pad_src = jnp.arange(npad, dtype=jnp.int32) % _N
    pad_dst = _N + jnp.arange(npad, dtype=jnp.int32) % (_ACCR - _N)
    src2d = jnp.concatenate(
        [edge_index[0].astype(jnp.int32), pad_src]).reshape(_NCHP, _CHUNK)
    dst2d = jnp.concatenate(
        [edge_index[1].astype(jnp.int32), pad_dst]).reshape(_NCHP, _CHUNK)
    srcab = jnp.stack([src2d, src2d + _N])
    batch2d = batch.reshape(_N, 1).astype(jnp.int32)

    sep1, sep2 = params["sep_gnn"]
    enc1, enc2 = params["enc_gnn"]
    eps1 = jnp.stack([sep1["eps"], enc1["eps"]]).reshape(2, 1).astype(jnp.float32)
    eps2 = jnp.stack([sep2["eps"], enc2["eps"]]).reshape(2, 1).astype(jnp.float32)

    aggx = _segsum_sc(x, src2d, dst2d)
    h2 = _gin_layer2_tc(
        (x, pl.BlockSpec((_BN, _D), lambda j, i: (i, 0))),
        ([aggx, aggx],
         [pl.BlockSpec((1, _BN, _D), lambda j, i: (0, i, 0)),
          pl.BlockSpec((1, _BN, _D), lambda j, i: (1, i, 0))]),
        eps1, _stack2(sep1, enc1, "w1"), _stack2(sep1, enc1, "b1"),
        _stack2(sep1, enc1, "w2"), _stack2(sep1, enc1, "b2"))
    agg2 = _segsum_dual_sc(h2, srcab, dst2d)
    nf2, hp, stats = _gin_layer2_tc(
        (h2, pl.BlockSpec((_BN, _D), lambda j, i: (j * _NB + i, 0))),
        ([agg2], [pl.BlockSpec((1, _BN, _D), lambda j, i: (j, i, 0))]),
        eps2, _stack2(sep2, enc2, "w1"), _stack2(sep2, enc2, "b1"),
        _stack2(sep2, enc2, "w2"), _stack2(sep2, enc2, "b2"),
        premlp=(params["sep_w1"], params["sep_b1"]))

    outs = _epilogue_tc(
        hp, stats, params["sep_bn_g"], params["sep_bn_b"], params["sep_w2"],
        params["sep_b2"], nf2, params["codebook"], batch2d,
        params["cls_w"], params["cls_b"])
    logit, c_g, s_g, cmt, reg = outs[4:]
    return (logit, c_g, s_g, cmt[0, 0], reg[0, 0])

# --- scband reference (transcript-rebuilt; emitter-appended) ---
"""Pipeline reference for scband-i-mo-ldgnn-43791486550205 (READ-ONLY COPY).

The authoritative reference and input builder live on the scoring server;
editing this copy changes nothing except your own understanding.
"""

import jax, jax.numpy as jnp
import numpy as np

N = 10000
E = 320000
D = 128
G = 128
K = 512
C = 10
GAMMA = 0.5
CW = 0.25


def _init_gin(key, d):
    ks = jax.random.split(key, 4)
    return [
        {"eps": jnp.zeros(()), "w1": jax.random.normal(ks[0], (d, 2 * d)) * 0.05, "b1": jnp.zeros(2 * d),
         "w2": jax.random.normal(ks[1], (2 * d, d)) * 0.05, "b2": jnp.zeros(d)},
        {"eps": jnp.zeros(()), "w1": jax.random.normal(ks[2], (d, 2 * d)) * 0.05, "b1": jnp.zeros(2 * d),
         "w2": jax.random.normal(ks[3], (2 * d, d)) * 0.05, "b2": jnp.zeros(d)},
    ]


def setup_inputs(seed: int = 0):
    key = jax.random.key(seed)
    ks = jax.random.split(key, 10)
    x = jax.random.normal(ks[0], (N, D), dtype=jnp.float32)
    edge_index = jax.random.randint(ks[1], (2, E), 0, N)
    batch = jnp.sort(jax.random.randint(ks[2], (N,), 0, G))
    params = {
        "sep_gnn": _init_gin(ks[3], D),
        "enc_gnn": _init_gin(ks[4], D),
        "sep_w1": jax.random.normal(ks[5], (D, 2 * D)) * 0.05, "sep_b1": jnp.zeros(2 * D),
        "sep_bn_g": jnp.ones(2 * D), "sep_bn_b": jnp.zeros(2 * D),
        "sep_w2": jax.random.normal(ks[6], (2 * D, D)) * 0.05, "sep_b2": jnp.zeros(D),
        "codebook": jax.random.normal(ks[7], (K, D)) * 0.05,
        "cls_w": jax.random.normal(ks[8], (D, C)) * 0.05, "cls_b": jnp.zeros(C),
    }
    return {"x": x, "edge_index": edge_index, "batch": batch, "params": params}


def _bn(h, g, b):
    m = h.mean(0)
    v = h.var(0)
    return (h - m) / jnp.sqrt(v + 1e-5) * g + b


def _gin(x, src, dst, layers):
    h = x
    for ly in layers:
        agg = jax.ops.segment_sum(h[src], dst, num_segments=N)
        z = (1.0 + ly["eps"]) * h + agg
        z = jax.nn.relu(z @ ly["w1"] + ly["b1"])
        h = jax.nn.relu(z @ ly["w2"] + ly["b2"])
    return h


def _forward(x, edge_index, batch, params):
    src, dst = edge_index[0], edge_index[1]
    # Separator
    nf_r = _gin(x, src, dst, params["sep_gnn"])
    h = nf_r @ params["sep_w1"] + params["sep_b1"]
    h = _bn(h, params["sep_bn_g"], params["sep_bn_b"])
    h = jax.nn.relu(h)
    score = jax.nn.sigmoid(h @ params["sep_w2"] + params["sep_b2"])
    pos_node = score.mean(1)
    pos_b = jax.ops.segment_sum(pos_node, batch, num_segments=G) + 1e-8
    neg_b = jax.ops.segment_sum(1.0 - pos_node, batch, num_segments=G) + 1e-8
    # Discrete encoder
    nf = _gin(x, src, dst, params["enc_gnn"])
    cb = params["codebook"]
    d2 = (nf * nf).sum(1, keepdims=True) - 2.0 * (nf @ cb.T) + (cb * cb).sum(1)[None, :]
    idx = jnp.argmin(d2, axis=1)
    q = cb[idx]
    cmt_loss = CW * jnp.mean((nf - jax.lax.stop_gradient(q)) ** 2)
    v = nf + jax.lax.stop_gradient(q - nf)  # straight-through VQ
    res = nf + v
    c = res * score
    s = res * (1.0 - score)
    cnt = jnp.clip(jax.ops.segment_sum(jnp.ones((N,), jnp.float32), batch, num_segments=G), 1.0, None)
    c_g = jax.ops.segment_sum(c, batch, num_segments=G) / cnt[:, None]
    s_g = jax.ops.segment_sum(s, batch, num_segments=G) / cnt[:, None]
    c_logit = c_g @ params["cls_w"] + params["cls_b"]
    loss_reg = jnp.mean(jnp.abs(pos_b / (pos_b + neg_b) - GAMMA))
    return (c_logit, c_g, s_g, cmt_loss, loss_reg)


def reference(x, edge_index, batch, params):
    return _forward(x, edge_index, batch, params)

if __name__ == "__main__":
    import jax
    _d = setup_inputs()
    print(jax.jit(kernel)(*tuple(_d.values())))

</pallas_src>

<mosaic_0001>
#map = affine_map<(d0, d1) -> (0, 0)>
#map1 = affine_map<(d0, d1) -> (0, 0, 0)>
module attributes {stable_mosaic.version = 14 : i64} {
  func.func @k(%arg0: i32, %arg1: i32, %arg2: memref<10000x128xf32, #tpu.memory_space<hbm>>, %arg3: memref<2560x128xi32, #tpu.memory_space<hbm>>, %arg4: memref<2560x128xi32, #tpu.memory_space<hbm>>, %arg5: memref<2x10000x128xf32, #tpu.memory_space<hbm>>, %arg6: memref<40x128xi32, #tpu.memory_space<vmem>>, %arg7: memref<40x128xi32, #tpu.memory_space<vmem>>, %arg8: memref<128x128xf32, #tpu.memory_space<vmem>>, %arg9: memref<128x128xf32, #tpu.memory_space<vmem>>, %arg10: memref<10112x128xf32, #tpu.memory_space<vmem_shared>>, %arg11: memref<!tpu.dma_semaphore, #tpu.memory_space<semaphore_mem>>, %arg12: memref<!tpu.dma_semaphore, #tpu.memory_space<semaphore_mem>>) attributes {dimension_semantics = [#tpu.dimension_semantics<core_parallel>, #tpu.dimension_semantics<subcore_parallel>], iteration_bounds = array<i64: 2, 16>, scalar_prefetch = 0 : i64, scratch_operands = 7 : i64, tpu.core_type = #tpu.core_type<sc_vector_subcore>, window_params = [{transform_indices = #map}, {transform_indices = #map}, {transform_indices = #map}, {transform_indices = #map1}]} {
    %scan3A = arith.constant 0 : i32
    %scan3A_0 = arith.constant 0 : i32
    %scan3A_1 = arith.constant 128 : i32
    %scan3A_2 = arith.addi %scan3A_0, %scan3A_1 : i32
    %scan3A_3 = arith.constant 1 : i32
    scf.for %scan3A_48 = %scan3A_0 to %scan3A_2 step %scan3A_3  : i32 {
      %broadcast_in_dim3A = arith.constant 0.000000e+00 : f32
      %broadcast_in_dim3A_49 = vector.broadcast %broadcast_in_dim3A : f32 to vector<16xf32>
      %swap3A = arith.index_cast %scan3A_48 : i32 to index
      %swap3A_50 = arith.constant 0 : index
      %swap3A_51 = tpu.vector_load %arg8[%swap3A, %swap3A_50] {strides = array<i32>} : memref<128x128xf32, #tpu.memory_space<vmem>>, vector<1x16xf32>,
      %swap3A_52 = vector.shape_cast %swap3A_51 : vector<1x16xf32> to vector<16xf32>
      %swap3A_53 = vector.shape_cast %broadcast_in_dim3A_49 : vector<16xf32> to vector<1x16xf32>
      tpu.vector_store %arg8[%swap3A, %swap3A_50], %swap3A_53 {strides = array<i32>} : memref<128x128xf32, #tpu.memory_space<vmem>>, vector<1x16xf32>,
      %broadcast_in_dim3A_54 = arith.constant 0.000000e+00 : f32
      %broadcast_in_dim3A_55 = vector.broadcast %broadcast_in_dim3A_54 : f32 to vector<16xf32>
      %swap3A_56 = arith.index_cast %scan3A_48 : i32 to index
      %swap3A_57 = arith.constant 16 : index
      %swap3A_58 = tpu.vector_load %arg8[%swap3A_56, %swap3A_57] {strides = array<i32>} : memref<128x128xf32, #tpu.memory_space<vmem>>, vector<1x16xf32>,
      %swap3A_59 = vector.shape_cast %swap3A_58 : vector<1x16xf32> to vector<16xf32>
      %swap3A_60 = vector.shape_cast %broadcast_in_dim3A_55 : vector<16xf32> to vector<1x16xf32>
      tpu.vector_store %arg8[%swap3A_56, %swap3A_57], %swap3A_60 {strides = array<i32>} : memref<128x128xf32, #tpu.memory_space<vmem>>, vector<1x16xf32>,
      %broadcast_in_dim3A_61 = arith.constant 0.000000e+00 : f32
      %broadcast_in_dim3A_62 = vector.broadcast %broadcast_in_dim3A_61 : f32 to vector<16xf32>
      %swap3A_63 = arith.index_cast %scan3A_48 : i32 to index
      %swap3A_64 = arith.constant 32 : index
      %swap3A_65 = tpu.vector_load %arg8[%swap3A_63, %swap3A_64] {strides = array<i32>} : memref<128x128xf32, #tpu.memory_space<vmem>>, vector<1x16xf32>,
      %swap3A_66 = vector.shape_cast %swap3A_65 : vector<1x16xf32> to vector<16xf32>
      %swap3A_67 = vector.shape_cast %broadcast_in_dim3A_62 : vector<16xf32> to vector<1x16xf32>
      tpu.vector_store %arg8[%swap3A_63, %swap3A_64], %swap3A_67 {strides = array<i32>} : memref<128x128xf32, #tpu.memory_space<vmem>>, vector<1x16xf32>,
      %broadcast_in_dim3A_68 = arith.constant 0.000000e+00 : f32
      %broadcast_in_dim3A_69 = vector.broadcast %broadcast_in_dim3A_68 : f32 to vector<16xf32>
      %swap3A_70 = arith.index_cast %scan3A_48 : i32 to index
      %swap3A_71 = arith.constant 48 : index
      %swap3A_72 = tpu.vector_load %arg8[%swap3A_70, %swap3A_71] {strides = array<i32>} : memref<128x128xf32, #tpu.memory_space<vmem>>, vector<1x16xf32>,
      %swap3A_73 = vector.shape_cast %swap3A_72 : vector<1x16xf32> to vector<16xf32>
      %swap3A_74 = vector.shape_cast %broadcast_in_dim3A_69 : vector<16xf32> to vector<1x16xf32>
      tpu.vector_store %arg8[%swap3A_70, %swap3A_71], %swap3A_74 {strides = array<i32>} : memref<128x128xf32, #tpu.memory_space<vmem>>, vector<1x16xf32>,
      %broadcast_in_dim3A_75 = arith.constant 0.000000e+00 : f32
      %broadcast_in_dim3A_76 = vector.broadcast %broadcast_in_dim3A_75 : f32 to vector<16xf32>
      %swap3A_77 = arith.index_cast %scan3A_48 : i32 to index
      %swap3A_78 = arith.constant 64 : index
      %swap3A_79 = tpu.vector_load %arg8[%swap3A_77, %swap3A_78] {strides = array<i32>} : memref<128x128xf32, #tpu.memory_space<vmem>>, vector<1x16xf32>,
      %swap3A_80 = vector.shape_cast %swap3A_79 : vector<1x16xf32> to vector<16xf32>
      %swap3A_81 = vector.shape_cast %broadcast_in_dim3A_76 : vector<16xf32> to vector<1x16xf32>
      tpu.vector_store %arg8[%swap3A_77, %swap3A_78], %swap3A_81 {strides = array<i32>} : memref<128x128xf32, #tpu.memory_space<vmem>>, vector<1x16xf32>,
      %broadcast_in_dim3A_82 = arith.constant 0.000000e+00 : f32
      %broadcast_in_dim3A_83 = vector.broadcast %broadcast_in_dim3A_82 : f32 to vector<16xf32>
      %swap3A_84 = arith.index_cast %scan3A_48 : i32 to index
      %swap3A_85 = arith.constant 80 : index
      %swap3A_86 = tpu.vector_load %arg8[%swap3A_84, %swap3A_85] {strides = array<i32>} : memref<128x128xf32, #tpu.memory_space<vmem>>, vector<1x16xf32>,
      %swap3A_87 = vector.shape_cast %swap3A_86 : vector<1x16xf32> to vector<16xf32>
      %swap3A_88 = vector.shape_cast %broadcast_in_dim3A_83 : vector<16xf32> to vector<1x16xf32>
      tpu.vector_store %arg8[%swap3A_84, %swap3A_85], %swap3A_88 {strides = array<i32>} : memref<128x128xf32, #tpu.memory_space<vmem>>, vector<1x16xf32>,
      %broadcast_in_dim3A_89 = arith.constant 0.000000e+00 : f32
      %broadcast_in_dim3A_90 = vector.broadcast %broadcast_in_dim3A_89 : f32 to vector<16xf32>
      %swap3A_91 = arith.index_cast %scan3A_48 : i32 to index
      %swap3A_92 = arith.constant 96 : index
      %swap3A_93 = tpu.vector_load %arg8[%swap3A_91, %swap3A_92] {strides = array<i32>} : memref<128x128xf32, #tpu.memory_space<vmem>>, vector<1x16xf32>,
      %swap3A_94 = vector.shape_cast %swap3A_93 : vector<1x16xf32> to vector<16xf32>
      %swap3A_95 = vector.shape_cast %broadcast_in_dim3A_90 : vector<16xf32> to vector<1x16xf32>
      tpu.vector_store %arg8[%swap3A_91, %swap3A_92], %swap3A_95 {strides = array<i32>} : memref<128x128xf32, #tpu.memory_space<vmem>>, vector<1x16xf32>,
      %broadcast_in_dim3A_96 = arith.constant 0.000000e+00 : f32
      %broadcast_in_dim3A_97 = vector.broadcast %broadcast_in_dim3A_96 : f32 to vector<16xf32>
      %swap3A_98 = arith.index_cast %scan3A_48 : i32 to index
      %swap3A_99 = arith.constant 112 : index
      %swap3A_100 = tpu.vector_load %arg8[%swap3A_98, %swap3A_99] {strides = array<i32>} : memref<128x128xf32, #tpu.memory_space<vmem>>, vector<1x16xf32>,
      %swap3A_101 = vector.shape_cast %swap3A_100 : vector<1x16xf32> to vector<16xf32>
      %swap3A_102 = vector.shape_cast %broadcast_in_dim3A_97 : vector<16xf32> to vector<1x16xf32>
      tpu.vector_store %arg8[%swap3A_98, %swap3A_99], %swap3A_102 {strides = array<i32>} : memref<128x128xf32, #tpu.memory_space<vmem>>, vector<1x16xf32>,
    }
    %scan3A_4 = arith.constant 128 : i32
    %mul3A = arith.constant 632 : i32
    %mul3A_5 = arith.muli %arg1, %mul3A : i32
    %add3A = arith.constant 0 : i32
    %add3A_6 = arith.addi %mul3A_5, %add3A : i32
    %multiple_of3A = tpu.assume_multiple %add3A_6, 8 : i32
    "tpu.region"() ({
      %run_scoped3A = tpu.sem_alloc : memref<!tpu.dma_semaphore, #tpu.memory_space<semaphore_mem>>
      %dma_start3A = arith.constant 0 : i32
      %dma_start3A_48 = tpu.memref_slice %arg10[%multiple_of3A, %dma_start3A] : memref<10112x128xf32, #tpu.memory_space<vmem_shared>> -> memref<128x128xf32, #tpu.memory_space<vmem_shared>>
      %dma_start3A_49 = arith.constant 0 : i32
      %dma_start3A_50 = tpu.memref_slice %arg10[%multiple_of3A, %dma_start3A_49] : memref<10112x128xf32, #tpu.memory_space<vmem_shared>> -> memref<128x128xf32, #tpu.memory_space<vmem_shared>>
      tpu.enqueue_dma source(%arg8 : memref<128x128xf32, #tpu.memory_space<vmem>>) target(%dma_start3A_50 : memref<128x128xf32, #tpu.memory_space<vmem_shared>>) target_semaphore(%run_scoped3A : memref<!tpu.dma_semaphore, #tpu.memory_space<semaphore_mem>>)
      %dma_wait3A = arith.constant 0 : i32
      %dma_wait3A_51 = tpu.memref_slice %arg10[%multiple_of3A, %dma_wait3A] : memref<10112x128xf32, #tpu.memory_space<vmem_shared>> -> memref<128x128xf32, #tpu.memory_space<vmem_shared>>
      %dma_wait3A_52 = arith.constant 0 : i32
      %dma_wait3A_53 = tpu.memref_slice %arg10[%multiple_of3A, %dma_wait3A_52] : memref<10112x128xf32, #tpu.memory_space<vmem_shared>> -> memref<128x128xf32, #tpu.memory_space<vmem_shared>>
      tpu.wait_dma2 semaphore(%run_scoped3A : memref<!tpu.dma_semaphore, #tpu.memory_space<semaphore_mem>>) src(%arg8 : memref<128x128xf32, #tpu.memory_space<vmem>>) dst(%dma_wait3A_53 : memref<128x128xf32, #tpu.memory_space<vmem_shared>>)
      tpu.yield
    }) : () -> ()
    %mul3A_7 = arith.constant 632 : i32
    %mul3A_8 = arith.muli %arg1, %mul3A_7 : i32
    %add3A_9 = arith.constant 128 : i32
    %add3A_10 = arith.addi %mul3A_8, %add3A_9 : i32
    %multiple_of3A_11 = tpu.assume_multiple %add3A_10, 8 : i32
    "tpu.region"() ({
      %run_scoped3A = tpu.sem_alloc : memref<!tpu.dma_semaphore, #tpu.memory_space<semaphore_mem>>
      %dma_start3A = arith.constant 0 : i32
      %dma_start3A_48 = tpu.memref_slice %arg10[%multiple_of3A_11, %dma_start3A] : memref<10112x128xf32, #tpu.memory_space<vmem_shared>> -> memref<128x128xf32, #tpu.memory_space<vmem_shared>>
      %dma_start3A_49 = arith.constant 0 : i32
      %dma_start3A_50 = tpu.memref_slice %arg10[%multiple_of3A_11, %dma_start3A_49] : memref<10112x128xf32, #tpu.memory_space<vmem_shared>> -> memref<128x128xf32, #tpu.memory_space<vmem_shared>>
      tpu.enqueue_dma source(%arg8 : memref<128x128xf32, #tpu.memory_space<vmem>>) target(%dma_start3A_50 : memref<128x128xf32, #tpu.memory_space<vmem_shared>>) target_semaphore(%run_scoped3A : memref<!tpu.dma_semaphore, #tpu.memory_space<semaphore_mem>>)
      %dma_wait3A = arith.constant 0 : i32
      %dma_wait3A_51 = tpu.memref_slice %arg10[%multiple_of3A_11, %dma_wait3A] : memref<10112x128xf32, #tpu.memory_space<vmem_shared>> -> memref<128x128xf32, #tpu.memory_space<vmem_shared>>
      %dma_wait3A_52 = arith.constant 0 : i32
      %dma_wait3A_53 = tpu.memref_slice %arg10[%multiple_of3A_11, %dma_wait3A_52] : memref<10112x128xf32, #tpu.memory_space<vmem_shared>> -> memref<128x128xf32, #tpu.memory_space<vmem_shared>>
      tpu.wait_dma2 semaphore(%run_scoped3A : memref<!tpu.dma_semaphore, #tpu.memory_space<semaphore_mem>>) src(%arg8 : memref<128x128xf32, #tpu.memory_space<vmem>>) dst(%dma_wait3A_53 : memref<128x128xf32, #tpu.memory_space<vmem_shared>>)
      tpu.yield
    }) : () -> ()
    %mul3A_12 = arith.constant 632 : i32
    %mul3A_13 = arith.muli %arg1, %mul3A_12 : i32
    %add3A_14 = arith.constant 256 : i32
    %add3A_15 = arith.addi %mul3A_13, %add3A_14 : i32
    %multiple_of3A_16 = tpu.assume_multiple %add3A_15, 8 : i32
    "tpu.region"() ({
      %run_scoped3A = tpu.sem_alloc : memref<!tpu.dma_semaphore, #tpu.memory_space<semaphore_mem>>
      %dma_start3A = arith.constant 0 : i32
      %dma_start3A_48 = tpu.memref_slice %arg10[%multiple_of3A_16, %dma_start3A] : memref<10112x128xf32, #tpu.memory_space<vmem_shared>> -> memref<128x128xf32, #tpu.memory_space<vmem_shared>>
      %dma_start3A_49 = arith.constant 0 : i32
      %dma_start3A_50 = tpu.memref_slice %arg10[%multiple_of3A_16, %dma_start3A_49] : memref<10112x128xf32, #tpu.memory_space<vmem_shared>> -> memref<128x128xf32, #tpu.memory_space<vmem_shared>>
      tpu.enqueue_dma source(%arg8 : memref<128x128xf32, #tpu.memory_space<vmem>>) target(%dma_start3A_50 : memref<128x128xf32, #tpu.memory_space<vmem_shared>>) target_semaphore(%run_scoped3A : memref<!tpu.dma_semaphore, #tpu.memory_space<semaphore_mem>>)
      %dma_wait3A = arith.constant 0 : i32
      %dma_wait3A_51 = tpu.memref_slice %arg10[%multiple_of3A_16, %dma_wait3A] : memref<10112x128xf32, #tpu.memory_space<vmem_shared>> -> memref<128x128xf32, #tpu.memory_space<vmem_shared>>
      %dma_wait3A_52 = arith.constant 0 : i32
      %dma_wait3A_53 = tpu.memref_slice %arg10[%multiple_of3A_16, %dma_wait3A_52] : memref<10112x128xf32, #tpu.memory_space<vmem_shared>> -> memref<128x128xf32, #tpu.memory_space<vmem_shared>>
      tpu.wait_dma2 semaphore(%run_scoped3A : memref<!tpu.dma_semaphore, #tpu.memory_space<semaphore_mem>>) src(%arg8 : memref<128x128xf32, #tpu.memory_space<vmem>>) dst(%dma_wait3A_53 : memref<128x128xf32, #tpu.memory_space<vmem_shared>>)
      tpu.yield
    }) : () -> ()
    %mul3A_17 = arith.constant 632 : i32
    %mul3A_18 = arith.muli %arg1, %mul3A_17 : i32
    %add3A_19 = arith.constant 384 : i32
    %add3A_20 = arith.addi %mul3A_18, %add3A_19 : i32
    %multiple_of3A_21 = tpu.assume_multiple %add3A_20, 8 : i32
    "tpu.region"() ({
      %run_scoped3A = tpu.sem_alloc : memref<!tpu.dma_semaphore, #tpu.memory_space<semaphore_mem>>
      %dma_start3A = arith.constant 0 : i32
      %dma_start3A_48 = tpu.memref_slice %arg10[%multiple_of3A_21, %dma_start3A] : memref<10112x128xf32, #tpu.memory_space<vmem_shared>> -> memref<128x128xf32, #tpu.memory_space<vmem_shared>>
      %dma_start3A_49 = arith.constant 0 : i32
      %dma_start3A_50 = tpu.memref_slice %arg10[%multiple_of3A_21, %dma_start3A_49] : memref<10112x128xf32, #tpu.memory_space<vmem_shared>> -> memref<128x128xf32, #tpu.memory_space<vmem_shared>>
      tpu.enqueue_dma source(%arg8 : memref<128x128xf32, #tpu.memory_space<vmem>>) target(%dma_start3A_50 : memref<128x128xf32, #tpu.memory_space<vmem_shared>>) target_semaphore(%run_scoped3A : memref<!tpu.dma_semaphore, #tpu.memory_space<semaphore_mem>>)
      %dma_wait3A = arith.constant 0 : i32
      %dma_wait3A_51 = tpu.memref_slice %arg10[%multiple_of3A_21, %dma_wait3A] : memref<10112x128xf32, #tpu.memory_space<vmem_shared>> -> memref<128x128xf32, #tpu.memory_space<vmem_shared>>
      %dma_wait3A_52 = arith.constant 0 : i32
      %dma_wait3A_53 = tpu.memref_slice %arg10[%multiple_of3A_21, %dma_wait3A_52] : memref<10112x128xf32, #tpu.memory_space<vmem_shared>> -> memref<128x128xf32, #tpu.memory_space<vmem_shared>>
      tpu.wait_dma2 semaphore(%run_scoped3A : memref<!tpu.dma_semaphore, #tpu.memory_space<semaphore_mem>>) src(%arg8 : memref<128x128xf32, #tpu.memory_space<vmem>>) dst(%dma_wait3A_53 : memref<128x128xf32, #tpu.memory_space<vmem_shared>>)
      tpu.yield
    }) : () -> ()
    %mul3A_22 = arith.constant 632 : i32
    %mul3A_23 = arith.muli %arg1, %mul3A_22 : i32
    %add3A_24 = arith.constant 512 : i32
    %add3A_25 = arith.addi %mul3A_23, %add3A_24 : i32
    %multiple_of3A_26 = tpu.assume_multiple %add3A_25, 8 : i32
    "tpu.region"() ({
      %run_scoped3A = tpu.sem_alloc : memref<!tpu.dma_semaphore, #tpu.memory_space<semaphore_mem>>
      %dma_start3A = arith.constant 0 : i32
      %dma_start3A_48 = arith.constant 0 : i32
      %dma_start3A_49 = tpu.memref_slice %arg8[%dma_start3A, %dma_start3A_48] : memref<128x128xf32, #tpu.memory_space<vmem>> -> memref<120x128xf32, #tpu.memory_space<vmem>>
      %dma_start3A_50 = arith.constant 0 : i32
      %dma_start3A_51 = tpu.memref_slice %arg10[%multiple_of3A_26, %dma_start3A_50] : memref<10112x128xf32, #tpu.memory_space<vmem_shared>> -> memref<120x128xf32, #tpu.memory_space<vmem_shared>>
      %dma_start3A_52 = arith.constant 0 : i32
      %dma_start3A_53 = tpu.memref_slice %arg10[%multiple_of3A_26, %dma_start3A_52] : memref<10112x128xf32, #tpu.memory_space<vmem_shared>> -> memref<120x128xf32, #tpu.memory_space<vmem_shared>>
      %dma_start3A_54 = arith.constant 0 : i32
      %dma_start3A_55 = arith.constant 0 : i32
      %dma_start3A_56 = tpu.memref_slice %arg8[%dma_start3A_54, %dma_start3A_55] : memref<128x128xf32, #tpu.memory_space<vmem>> -> memref<120x128xf32, #tpu.memory_space<vmem>>
      tpu.enqueue_dma source(%dma_start3A_56 : memref<120x128xf32, #tpu.memory_space<vmem>>) target(%dma_start3A_53 : memref<120x128xf32, #tpu.memory_space<vmem_shared>>) target_semaphore(%run_scoped3A : memref<!tpu.dma_semaphore, #tpu.memory_space<semaphore_mem>>)
      %dma_wait3A = arith.constant 0 : i32
      %dma_wait3A_57 = arith.constant 0 : i32
      %dma_wait3A_58 = tpu.memref_slice %arg8[%dma_wait3A, %dma_wait3A_57] : memref<128x128xf32, #tpu.memory_space<vmem>> -> memref<120x128xf32, #tpu.memory_space<vmem>>
      %dma_wait3A_59 = arith.constant 0 : i32
      %dma_wait3A_60 = tpu.memref_slice %arg10[%multiple_of3A_26, %dma_wait3A_59] : memref<10112x128xf32, #tpu.memory_space<vmem_shared>> -> memref<120x128xf32, #tpu.memory_space<vmem_shared>>
      %dma_wait3A_61 = arith.constant 0 : i32
      %dma_wait3A_62 = tpu.memref_slice %arg10[%multiple_of3A_26, %dma_wait3A_61] : memref<10112x128xf32, #tpu.memory_space<vmem_shared>> -> memref<120x128xf32, #tpu.memory_space<vmem_shared>>
      %dma_wait3A_63 = arith.constant 0 : i32
      %dma_wait3A_64 = arith.constant 0 : i32
      %dma_wait3A_65 = tpu.memref_slice %arg8[%dma_wait3A_63, %dma_wait3A_64] : memref<128x128xf32, #tpu.memory_space<vmem>> -> memref<120x128xf32, #tpu.memory_space<vmem>>
      tpu.wait_dma2 semaphore(%run_scoped3A : memref<!tpu.dma_semaphore, #tpu.memory_space<semaphore_mem>>) src(%dma_wait3A_65 : memref<120x128xf32, #tpu.memory_space<vmem>>) dst(%dma_wait3A_62 : memref<120x128xf32, #tpu.memory_space<vmem_shared>>)
      tpu.yield
    }) : () -> ()
    %barrier3A = arith.constant 0 : index
    tpu.barrier barrier_id(%barrier3A)
    %mul3A_27 = arith.constant 16 : i32
    %mul3A_28 = arith.muli %arg0, %mul3A_27 : i32
    %add3A_29 = arith.addi %mul3A_28, %arg1 : i32
    %mul3A_30 = arith.constant 80 : i32
    %mul3A_31 = arith.muli %add3A_29, %mul3A_30 : i32
    %scan3A_32 = arith.constant 0 : i32
    %scan3A_33 = arith.constant 0 : i32
    %scan3A_34 = arith.constant 2 : i32
    %scan3A_35 = arith.addi %scan3A_33, %scan3A_34 : i32
    %scan3A_36 = arith.constant 1 : i32
    scf.for %scan3A_48 = %scan3A_33 to %scan3A_35 step %scan3A_36  : i32 {
      %mul3A_49 = arith.constant 40 : i32
      %mul3A_50 = arith.muli %scan3A_48, %mul3A_49 : i32
      %add3A_51 = arith.addi %mul3A_31, %mul3A_50 : i32
      %multiple_of3A_52 = tpu.assume_multiple %add3A_51, 8 : i32
      "tpu.region"() ({
        %run_scoped3A = tpu.sem_alloc : memref<!tpu.dma_semaphore, #tpu.memory_space<semaphore_mem>>
        %dma_start3A_65 = arith.constant 0 : i32
        %dma_start3A_66 = tpu.memref_slice %arg3[%multiple_of3A_52, %dma_start3A_65] : memref<2560x128xi32, #tpu.memory_space<hbm>> -> memref<40x128xi32, #tpu.memory_space<hbm>>
        %dma_start3A_67 = arith.constant 0 : i32
        %dma_start3A_68 = tpu.memref_slice %arg3[%multiple_of3A_52, %dma_start3A_67] : memref<2560x128xi32, #tpu.memory_space<hbm>> -> memref<40x128xi32, #tpu.memory_space<hbm>>
        tpu.enqueue_dma source(%dma_start3A_68 : memref<40x128xi32, #tpu.memory_space<hbm>>) target(%arg6 : memref<40x128xi32, #tpu.memory_space<vmem>>) target_semaphore(%run_scoped3A : memref<!tpu.dma_semaphore, #tpu.memory_space<semaphore_mem>>)
        %dma_wait3A = arith.constant 0 : i32
        %dma_wait3A_69 = tpu.memref_slice %arg3[%multiple_of3A_52, %dma_wait3A] : memref<2560x128xi32, #tpu.memory_space<hbm>> -> memref<40x128xi32, #tpu.memory_space<hbm>>
        %dma_wait3A_70 = arith.constant 0 : i32
        %dma_wait3A_71 = tpu.memref_slice %arg3[%multiple_of3A_52, %dma_wait3A_70] : memref<2560x128xi32, #tpu.memory_space<hbm>> -> memref<40x128xi32, #tpu.memory_space<hbm>>
        tpu.wait_dma2 semaphore(%run_scoped3A : memref<!tpu.dma_semaphore, #tpu.memory_space<semaphore_mem>>) src(%dma_wait3A_71 : memref<40x128xi32, #tpu.memory_space<hbm>>) dst(%arg6 : memref<40x128xi32, #tpu.memory_space<vmem>>)
        tpu.yield
      }) : () -> ()
      "tpu.region"() ({
        %run_scoped3A = tpu.sem_alloc : memref<!tpu.dma_semaphore, #tpu.memory_space<semaphore_mem>>
        %dma_start3A_65 = arith.constant 0 : i32
        %dma_start3A_66 = tpu.memref_slice %arg4[%multiple_of3A_52, %dma_start3A_65] : memref<2560x128xi32, #tpu.memory_space<hbm>> -> memref<40x128xi32, #tpu.memory_space<hbm>>
        %dma_start3A_67 = arith.constant 0 : i32
        %dma_start3A_68 = tpu.memref_slice %arg4[%multiple_of3A_52, %dma_start3A_67] : memref<2560x128xi32, #tpu.memory_space<hbm>> -> memref<40x128xi32, #tpu.memory_space<hbm>>
        tpu.enqueue_dma source(%dma_start3A_68 : memref<40x128xi32, #tpu.memory_space<hbm>>) target(%arg7 : memref<40x128xi32, #tpu.memory_space<vmem>>) target_semaphore(%run_scoped3A : memref<!tpu.dma_semaphore, #tpu.memory_space<semaphore_mem>>)
        %dma_wait3A = arith.constant 0 : i32
        %dma_wait3A_69 = tpu.memref_slice %arg4[%multiple_of3A_52, %dma_wait3A] : memref<2560x128xi32, #tpu.memory_space<hbm>> -> memref<40x128xi32, #tpu.memory_space<hbm>>
        %dma_wait3A_70 = arith.constant 0 : i32
        %dma_wait3A_71 = tpu.memref_slice %arg4[%multiple_of3A_52, %dma_wait3A_70] : memref<2560x128xi32, #tpu.memory_space<hbm>> -> memref<40x128xi32, #tpu.memory_space<hbm>>
        tpu.wait_dma2 semaphore(%run_scoped3A : memref<!tpu.dma_semaphore, #tpu.memory_space<semaphore_mem>>) src(%dma_wait3A_71 : memref<40x128xi32, #tpu.memory_space<hbm>>) dst(%arg7 : memref<40x128xi32, #tpu.memory_space<vmem>>)
        tpu.yield
      }) : () -> ()
      %dma_start3A = arith.constant 0 : i32
      %dma_start3A_53 = arith.constant 0 : i32
      %dma_start3A_54 = tpu.memref_slice %arg6[%dma_start3A, %dma_start3A_53] : memref<40x128xi32, #tpu.memory_space<vmem>> -> memref<1x128xi32, #tpu.memory_space<vmem>>
      %dma_start3A_55 = tpu.memref_squeeze %dma_start3A_54 : memref<1x128xi32, #tpu.memory_space<vmem>> -> memref<128xi32, #tpu.memory_space<vmem>>
      %dma_start3A_56 = arith.constant 0 : i32
      %dma_start3A_57 = arith.constant 0 : i32
      %dma_start3A_58 = tpu.memref_slice %arg2[%dma_start3A_56, %dma_start3A_57] : memref<10000x128xf32, #tpu.memory_space<hbm>> -> memref<10000x128xf32, #tpu.memory_space<hbm>>
      tpu.enqueue_indirect_dma source(%dma_start3A_58 : memref<10000x128xf32, #tpu.memory_space<hbm>>) target(%arg8 : memref<128x128xf32, #tpu.memory_space<vmem>>) offsets(%dma_start3A_55 : memref<128xi32, #tpu.memory_space<vmem>>) semaphore(%arg11 : memref<!tpu.dma_semaphore, #tpu.memory_space<semaphore_mem>>)
      %scan3A_59 = arith.constant 0 : i32
      %scan3A_60 = arith.constant 0 : i32
      %scan3A_61 = arith.constant 20 : i32
      %scan3A_62 = arith.addi %scan3A_60, %scan3A_61 : i32
      %scan3A_63 = arith.constant 1 : i32
      scf.for %scan3A_65 = %scan3A_60 to %scan3A_62 step %scan3A_63  : i32 {
        %mul3A_66 = arith.constant 2 : i32
        %mul3A_67 = arith.muli %scan3A_65, %mul3A_66 : i32
        %add3A_68 = arith.constant 1 : i32
        %add3A_69 = arith.addi %mul3A_67, %add3A_68 : i32
        %dma_start3A_70 = arith.constant 0 : i32
        %dma_start3A_71 = tpu.memref_slice %arg6[%add3A_69, %dma_start3A_70] : memref<40x128xi32, #tpu.memory_space<vmem>> -> memref<1x128xi32, #tpu.memory_space<vmem>>
        %dma_start3A_72 = tpu.memref_squeeze %dma_start3A_71 : memref<1x128xi32, #tpu.memory_space<vmem>> -> memref<128xi32, #tpu.memory_space<vmem>>
        %dma_start3A_73 = arith.constant 0 : i32
        %dma_start3A_74 = arith.constant 0 : i32
        %dma_start3A_75 = tpu.memref_slice %arg2[%dma_start3A_73, %dma_start3A_74] : memref<10000x128xf32, #tpu.memory_space<hbm>> -> memref<10000x128xf32, #tpu.memory_space<hbm>>
        tpu.enqueue_indirect_dma source(%dma_start3A_75 : memref<10000x128xf32, #tpu.memory_space<hbm>>) target(%arg9 : memref<128x128xf32, #tpu.memory_space<vmem>>) offsets(%dma_start3A_72 : memref<128xi32, #tpu.memory_space<vmem>>) semaphore(%arg12 : memref<!tpu.dma_semaphore, #tpu.memory_space<semaphore_mem>>)
        %dma_wait3A = arith.constant 0 : i32
        %dma_wait3A_76 = tpu.memref_slice %arg6[%mul3A_67, %dma_wait3A] : memref<40x128xi32, #tpu.memory_space<vmem>> -> memref<1x128xi32, #tpu.memory_space<vmem>>
        %dma_wait3A_77 = tpu.memref_squeeze %dma_wait3A_76 : memref<1x128xi32, #tpu.memory_space<vmem>> -> memref<128xi32, #tpu.memory_space<vmem>>
        %dma_wait3A_78 = arith.constant 0 : i32
        %dma_wait3A_79 = arith.constant 0 : i32
        %dma_wait3A_80 = tpu.memref_slice %arg2[%dma_wait3A_78, %dma_wait3A_79] : memref<10000x128xf32, #tpu.memory_space<hbm>> -> memref<10000x128xf32, #tpu.memory_space<hbm>>
        tpu.wait_indirect_dma semaphore(%arg11 : memref<!tpu.dma_semaphore, #tpu.memory_space<semaphore_mem>>) src(%dma_wait3A_80 : memref<10000x128xf32, #tpu.memory_space<hbm>>) dst(%arg8 : memref<128x128xf32, #tpu.memory_space<vmem>>)
        "tpu.region"() ({
          %run_scoped3A = tpu.sem_alloc : memref<!tpu.dma_semaphore, #tpu.memory_space<semaphore_mem>>
          %dma_start3A_98 = arith.constant 0 : i32
          %dma_start3A_99 = tpu.memref_slice %arg7[%mul3A_67, %dma_start3A_98] : memref<40x128xi32, #tpu.memory_space<vmem>> -> memref<1x128xi32, #tpu.memory_space<vmem>>
          %dma_start3A_100 = tpu.memref_squeeze %dma_start3A_99 : memref<1x128xi32, #tpu.memory_space<vmem>> -> memref<128xi32, #tpu.memory_space<vmem>>
          %dma_start3A_101 = arith.constant 0 : i32
          %dma_start3A_102 = arith.constant 0 : i32
          %dma_start3A_103 = tpu.memref_slice %arg10[%dma_start3A_101, %dma_start3A_102] : memref<10112x128xf32, #tpu.memory_space<vmem_shared>> -> memref<10112x128xf32, #tpu.memory_space<vmem_shared>>
          tpu.enqueue_indirect_dma source(%arg8 : memref<128x128xf32, #tpu.memory_space<vmem>>) target(%dma_start3A_103 : memref<10112x128xf32, #tpu.memory_space<vmem_shared>>) offsets(%dma_start3A_100 : memref<128xi32, #tpu.memory_space<vmem>>) semaphore(%run_scoped3A : memref<!tpu.dma_semaphore, #tpu.memory_space<semaphore_mem>>) {add = true}
          %dma_wait3A_104 = arith.constant 0 : i32
          %dma_wait3A_105 = tpu.memref_slice %arg7[%mul3A_67, %dma_wait3A_104] : memref<40x128xi32, #tpu.memory_space<vmem>> -> memref<1x128xi32, #tpu.memory_space<vmem>>
          %dma_wait3A_106 = tpu.memref_squeeze %dma_wait3A_105 : memref<1x128xi32, #tpu.memory_space<vmem>> -> memref<128xi32, #tpu.memory_space<vmem>>
          %dma_wait3A_107 = arith.constant 0 : i32
          %dma_wait3A_108 = arith.constant 0 : i32
          %dma_wait3A_109 = tpu.memref_slice %arg10[%dma_wait3A_107, %dma_wait3A_108] : memref<10112x128xf32, #tpu.memory_space<vmem_shared>> -> memref<10112x128xf32, #tpu.memory_space<vmem_shared>>
          tpu.wait_indirect_dma semaphore(%run_scoped3A : memref<!tpu.dma_semaphore, #tpu.memory_space<semaphore_mem>>) src(%arg8 : memref<128x128xf32, #tpu.memory_space<vmem>>) dst(%dma_wait3A_109 : memref<10112x128xf32, #tpu.memory_space<vmem_shared>>)
          tpu.yield
        }) : () -> ()
        %add3A_81 = arith.constant 2 : i32
        %add3A_82 = arith.addi %mul3A_67, %add3A_81 : i32
        %lt3A_83 = arith.constant 40 : i32
        %lt3A_84 = arith.cmpi slt, %add3A_82, %lt3A_83 : i32
        %convert_element_type3A_85 = arith.extui %lt3A_84 : i1 to i32
        %cond3A_86 = arith.constant 0 : i32
        %cond3A_87 = arith.cmpi ne, %convert_element_type3A_85, %cond3A_86 : i32
        scf.if %cond3A_87 {
          %add3A_98 = arith.constant 2 : i32
          %add3A_99 = arith.addi %mul3A_67, %add3A_98 : i32
          %dma_start3A_100 = arith.constant 0 : i32
          %dma_start3A_101 = tpu.memref_slice %arg6[%add3A_99, %dma_start3A_100] : memref<40x128xi32, #tpu.memory_space<vmem>> -> memref<1x128xi32, #tpu.memory_space<vmem>>
          %dma_start3A_102 = tpu.memref_squeeze %dma_start3A_101 : memref<1x128xi32, #tpu.memory_space<vmem>> -> memref<128xi32, #tpu.memory_space<vmem>>
          %dma_start3A_103 = arith.constant 0 : i32
          %dma_start3A_104 = arith.constant 0 : i32
          %dma_start3A_105 = tpu.memref_slice %arg2[%dma_start3A_103, %dma_start3A_104] : memref<10000x128xf32, #tpu.memory_space<hbm>> -> memref<10000x128xf32, #tpu.memory_space<hbm>>
          tpu.enqueue_indirect_dma source(%dma_start3A_105 : memref<10000x128xf32, #tpu.memory_space<hbm>>) target(%arg8 : memref<128x128xf32, #tpu.memory_space<vmem>>) offsets(%dma_start3A_102 : memref<128xi32, #tpu.memory_space<vmem>>) semaphore(%arg11 : memref<!tpu.dma_semaphore, #tpu.memory_space<semaphore_mem>>)
        } else {
        }
        %add3A_88 = arith.constant 1 : i32
        %add3A_89 = arith.addi %mul3A_67, %add3A_88 : i32
        %dma_wait3A_90 = arith.constant 0 : i32
        %dma_wait3A_91 = tpu.memref_slice %arg6[%add3A_89, %dma_wait3A_90] : memref<40x128xi32, #tpu.memory_space<vmem>> -> memref<1x128xi32, #tpu.memory_space<vmem>>
        %dma_wait3A_92 = tpu.memref_squeeze %dma_wait3A_91 : memref<1x128xi32, #tpu.memory_space<vmem>> -> memref<128xi32, #tpu.memory_space<vmem>>
        %dma_wait3A_93 = arith.constant 0 : i32
        %dma_wait3A_94 = arith.constant 0 : i32
        %dma_wait3A_95 = tpu.memref_slice %arg2[%dma_wait3A_93, %dma_wait3A_94] : memref<10000x128xf32, #tpu.memory_space<hbm>> -> memref<10000x128xf32, #tpu.memory_space<hbm>>
        tpu.wait_indirect_dma semaphore(%arg12 : memref<!tpu.dma_semaphore, #tpu.memory_space<semaphore_mem>>) src(%dma_wait3A_95 : memref<10000x128xf32, #tpu.memory_space<hbm>>) dst(%arg9 : memref<128x128xf32, #tpu.memory_space<vmem>>)
        %add3A_96 = arith.constant 1 : i32
        %add3A_97 = arith.addi %mul3A_67, %add3A_96 : i32
        "tpu.region"() ({
          %run_scoped3A = tpu.sem_alloc : memref<!tpu.dma_semaphore, #tpu.memory_space<semaphore_mem>>
          %dma_start3A_98 = arith.constant 0 : i32
          %dma_start3A_99 = tpu.memref_slice %arg7[%add3A_97, %dma_start3A_98] : memref<40x128xi32, #tpu.memory_space<vmem>> -> memref<1x128xi32, #tpu.memory_space<vmem>>
          %dma_start3A_100 = tpu.memref_squeeze %dma_start3A_99 : memref<1x128xi32, #tpu.memory_space<vmem>> -> memref<128xi32, #tpu.memory_space<vmem>>
          %dma_start3A_101 = arith.constant 0 : i32
          %dma_start3A_102 = arith.constant 0 : i32
          %dma_start3A_103 = tpu.memref_slice %arg10[%dma_start3A_101, %dma_start3A_102] : memref<10112x128xf32, #tpu.memory_space<vmem_shared>> -> memref<10112x128xf32, #tpu.memory_space<vmem_shared>>
          tpu.enqueue_indirect_dma source(%arg9 : memref<128x128xf32, #tpu.memory_space<vmem>>) target(%dma_start3A_103 : memref<10112x128xf32, #tpu.memory_space<vmem_shared>>) offsets(%dma_start3A_100 : memref<128xi32, #tpu.memory_space<vmem>>) semaphore(%run_scoped3A : memref<!tpu.dma_semaphore, #tpu.memory_space<semaphore_mem>>) {add = true}
          %dma_wait3A_104 = arith.constant 0 : i32
          %dma_wait3A_105 = tpu.memref_slice %arg7[%add3A_97, %dma_wait3A_104] : memref<40x128xi32, #tpu.memory_space<vmem>> -> memref<1x128xi32, #tpu.memory_space<vmem>>
          %dma_wait3A_106 = tpu.memref_squeeze %dma_wait3A_105 : memref<1x128xi32, #tpu.memory_space<vmem>> -> memref<128xi32, #tpu.memory_space<vmem>>
          %dma_wait3A_107 = arith.constant 0 : i32
          %dma_wait3A_108 = arith.constant 0 : i32
          %dma_wait3A_109 = tpu.memref_slice %arg10[%dma_wait3A_107, %dma_wait3A_108] : memref<10112x128xf32, #tpu.memory_space<vmem_shared>> -> memref<10112x128xf32, #tpu.memory_space<vmem_shared>>
          tpu.wait_indirect_dma semaphore(%run_scoped3A : memref<!tpu.dma_semaphore, #tpu.memory_space<semaphore_mem>>) src(%arg9 : memref<128x128xf32, #tpu.memory_space<vmem>>) dst(%dma_wait3A_109 : memref<10112x128xf32, #tpu.memory_space<vmem_shared>>)
          tpu.yield
        }) : () -> ()
      }
      %scan3A_64 = arith.constant 20 : i32
    }
    %scan3A_37 = arith.constant 2 : i32
    %barrier3A_38 = arith.constant 0 : index
    tpu.barrier barrier_id(%barrier3A_38)
    %mul3A_39 = arith.constant 624 : i32
    %mul3A_40 = arith.muli %arg1, %mul3A_39 : i32
    %multiple_of3A_41 = tpu.assume_multiple %mul3A_40, 8 : i32
    %lt3A = arith.constant 15 : i32
    %lt3A_42 = arith.cmpi slt, %arg1, %lt3A : i32
    %convert_element_type3A = arith.extui %lt3A_42 : i1 to i32
    %cond3A = arith.constant 0 : i32
    %cond3A_43 = arith.cmpi ne, %convert_element_type3A, %cond3A : i32
    scf.if %cond3A_43 {
      "tpu.region"() ({
        %run_scoped3A = tpu.sem_alloc : memref<!tpu.dma_semaphore, #tpu.memory_space<semaphore_mem>>
        %dma_start3A = arith.constant 0 : i32
        %dma_start3A_48 = tpu.memref_slice %arg5[%arg0, %multiple_of3A_41, %dma_start3A] : memref<2x10000x128xf32, #tpu.memory_space<hbm>> -> memref<1x624x128xf32, #tpu.memory_space<hbm>>
        %dma_start3A_49 = tpu.memref_squeeze %dma_start3A_48 : memref<1x624x128xf32, #tpu.memory_space<hbm>> -> memref<624x128xf32, #tpu.memory_space<hbm>>
        %dma_start3A_50 = arith.constant 0 : i32
        %dma_start3A_51 = tpu.memref_slice %arg10[%multiple_of3A_41, %dma_start3A_50] : memref<10112x128xf32, #tpu.memory_space<vmem_shared>> -> memref<624x128xf32, #tpu.memory_space<vmem_shared>>
        tpu.enqueue_dma source(%dma_start3A_51 : memref<624x128xf32, #tpu.memory_space<vmem_shared>>) target(%dma_start3A_49 : memref<624x128xf32, #tpu.memory_space<hbm>>) target_semaphore(%run_scoped3A : memref<!tpu.dma_semaphore, #tpu.memory_space<semaphore_mem>>)
        %dma_wait3A = arith.constant 0 : i32
        %dma_wait3A_52 = tpu.memref_slice %arg5[%arg0, %multiple_of3A_41, %dma_wait3A] : memref<2x10000x128xf32, #tpu.memory_space<hbm>> -> memref<1x624x128xf32, #tpu.memory_space<hbm>>
        %dma_wait3A_53 = tpu.memref_squeeze %dma_wait3A_52 : memref<1x624x128xf32, #tpu.memory_space<hbm>> -> memref<624x128xf32, #tpu.memory_space<hbm>>
        %dma_wait3A_54 = arith.constant 0 : i32
        %dma_wait3A_55 = tpu.memref_slice %arg10[%multiple_of3A_41, %dma_wait3A_54] : memref<10112x128xf32, #tpu.memory_space<vmem_shared>> -> memref<624x128xf32, #tpu.memory_space<vmem_shared>>
        tpu.wait_dma2 semaphore(%run_scoped3A : memref<!tpu.dma_semaphore, #tpu.memory_space<semaphore_mem>>) src(%dma_wait3A_55 : memref<624x128xf32, #tpu.memory_space<vmem_shared>>) dst(%dma_wait3A_53 : memref<624x128xf32, #tpu.memory_space<hbm>>)
        tpu.yield
      }) : () -> ()
    } else {
    }
    %eq3A = arith.constant 15 : i32
    %eq3A_44 = arith.cmpi eq, %arg1, %eq3A : i32
    %convert_element_type3A_45 = arith.extui %eq3A_44 : i1 to i32
    %cond3A_46 = arith.constant 0 : i32
    %cond3A_47 = arith.cmpi ne, %convert_element_type3A_45, %cond3A_46 : i32
    scf.if %cond3A_47 {
      "tpu.region"() ({
        %run_scoped3A = tpu.sem_alloc : memref<!tpu.dma_semaphore, #tpu.memory_space<semaphore_mem>>
        %dma_start3A = arith.constant 9360 : i32
        %dma_start3A_48 = arith.constant 0 : i32
        %dma_start3A_49 = tpu.memref_slice %arg5[%arg0, %dma_start3A, %dma_start3A_48] : memref<2x10000x128xf32, #tpu.memory_space<hbm>> -> memref<1x640x128xf32, #tpu.memory_space<hbm>>
        %dma_start3A_50 = tpu.memref_squeeze %dma_start3A_49 : memref<1x640x128xf32, #tpu.memory_space<hbm>> -> memref<640x128xf32, #tpu.memory_space<hbm>>
        %dma_start3A_51 = arith.constant 9360 : i32
        %dma_start3A_52 = arith.constant 0 : i32
        %dma_start3A_53 = tpu.memref_slice %arg10[%dma_start3A_51, %dma_start3A_52] : memref<10112x128xf32, #tpu.memory_space<vmem_shared>> -> memref<640x128xf32, #tpu.memory_space<vmem_shared>>
        tpu.enqueue_dma source(%dma_start3A_53 : memref<640x128xf32, #tpu.memory_space<vmem_shared>>) target(%dma_start3A_50 : memref<640x128xf32, #tpu.memory_space<hbm>>) target_semaphore(%run_scoped3A : memref<!tpu.dma_semaphore, #tpu.memory_space<semaphore_mem>>)
        %dma_wait3A = arith.constant 9360 : i32
        %dma_wait3A_54 = arith.constant 0 : i32
        %dma_wait3A_55 = tpu.memref_slice %arg5[%arg0, %dma_wait3A, %dma_wait3A_54] : memref<2x10000x128xf32, #tpu.memory_space<hbm>> -> memref<1x640x128xf32, #tpu.memory_space<hbm>>
        %dma_wait3A_56 = tpu.memref_squeeze %dma_wait3A_55 : memref<1x640x128xf32, #tpu.memory_space<hbm>> -> memref<640x128xf32, #tpu.memory_space<hbm>>
        %dma_wait3A_57 = arith.constant 9360 : i32
        %dma_wait3A_58 = arith.constant 0 : i32
        %dma_wait3A_59 = tpu.memref_slice %arg10[%dma_wait3A_57, %dma_wait3A_58] : memref<10112x128xf32, #tpu.memory_space<vmem_shared>> -> memref<640x128xf32, #tpu.memory_space<vmem_shared>>
        tpu.wait_dma2 semaphore(%run_scoped3A : memref<!tpu.dma_semaphore, #tpu.memory_space<semaphore_mem>>) src(%dma_wait3A_59 : memref<640x128xf32, #tpu.memory_space<vmem_shared>>) dst(%dma_wait3A_56 : memref<640x128xf32, #tpu.memory_space<hbm>>)
        tpu.yield
      }) : () -> ()
    } else {
    }
    return
  }
}

#map = affine_map<(d0, d1) -> (0, 0)>
#map1 = affine_map<(d0, d1) -> (0, 0, 0)>
module attributes {stable_mosaic.version = 14 : i64} {
  func.func @k(%arg0: i32, %arg1: i32, %arg2: memref<20000x128xf32, #tpu.memory_space<hbm>>, %arg3: memref<2x2560x128xi32, #tpu.memory_space<hbm>>, %arg4: memref<2560x128xi32, #tpu.memory_space<hbm>>, %arg5: memref<2x10000x128xf32, #tpu.memory_space<hbm>>, %arg6: memref<40x128xi32, #tpu.memory_space<vmem>>, %arg7: memref<40x128xi32, #tpu.memory_space<vmem>>, %arg8: memref<128x128xf32, #tpu.memory_space<vmem>>, %arg9: memref<128x128xf32, #tpu.memory_space<vmem>>, %arg10: memref<10112x128xf32, #tpu.memory_space<vmem_shared>>, %arg11: memref<!tpu.dma_semaphore, #tpu.memory_space<semaphore_mem>>, %arg12: memref<!tpu.dma_semaphore, #tpu.memory_space<semaphore_mem>>) attributes {dimension_semantics = [#tpu.dimension_semantics<core_parallel>, #tpu.dimension_semantics<subcore_parallel>], iteration_bounds = array<i64: 2, 16>, scalar_prefetch = 0 : i64, scratch_operands = 7 : i64, tpu.core_type = #tpu.core_type<sc_vector_subcore>, window_params = [{transform_indices = #map}, {transform_indices = #map1}, {transform_indices = #map}, {transform_indices = #map1}]} {
    %scan3A = arith.constant 0 : i32
    %scan3A_0 = arith.constant 0 : i32
    %scan3A_1 = arith.constant 128 : i32
    %scan3A_2 = arith.addi %scan3A_0, %scan3A_1 : i32
    %scan3A_3 = arith.constant 1 : i32
    scf.for %scan3A_45 = %scan3A_0 to %scan3A_2 step %scan3A_3  : i32 {
      %broadcast_in_dim3A = arith.constant 0.000000e+00 : f32
      %broadcast_in_dim3A_46 = vector.broadcast %broadcast_in_dim3A : f32 to vector<16xf32>
      %swap3A = arith.index_cast %scan3A_45 : i32 to index
      %swap3A_47 = arith.constant 0 : index
      %swap3A_48 = tpu.vector_load %arg8[%swap3A, %swap3A_47] {strides = array<i32>} : memref<128x128xf32, #tpu.memory_space<vmem>>, vector<1x16xf32>,
      %swap3A_49 = vector.shape_cast %swap3A_48 : vector<1x16xf32> to vector<16xf32>
      %swap3A_50 = vector.shape_cast %broadcast_in_dim3A_46 : vector<16xf32> to vector<1x16xf32>
      tpu.vector_store %arg8[%swap3A, %swap3A_47], %swap3A_50 {strides = array<i32>} : memref<128x128xf32, #tpu.memory_space<vmem>>, vector<1x16xf32>,
      %broadcast_in_dim3A_51 = arith.constant 0.000000e+00 : f32
      %broadcast_in_dim3A_52 = vector.broadcast %broadcast_in_dim3A_51 : f32 to vector<16xf32>
      %swap3A_53 = arith.index_cast %scan3A_45 : i32 to index
      %swap3A_54 = arith.constant 16 : index
      %swap3A_55 = tpu.vector_load %arg8[%swap3A_53, %swap3A_54] {strides = array<i32>} : memref<128x128xf32, #tpu.memory_space<vmem>>, vector<1x16xf32>,
      %swap3A_56 = vector.shape_cast %swap3A_55 : vector<1x16xf32> to vector<16xf32>
      %swap3A_57 = vector.shape_cast %broadcast_in_dim3A_52 : vector<16xf32> to vector<1x16xf32>
      tpu.vector_store %arg8[%swap3A_53, %swap3A_54], %swap3A_57 {strides = array<i32>} : memref<128x128xf32, #tpu.memory_space<vmem>>, vector<1x16xf32>,
      %broadcast_in_dim3A_58 = arith.constant 0.000000e+00 : f32
      %broadcast_in_dim3A_59 = vector.broadcast %broadcast_in_dim3A_58 : f32 to vector<16xf32>
      %swap3A_60 = arith.index_cast %scan3A_45 : i32 to index
      %swap3A_61 = arith.constant 32 : index
      %swap3A_62 = tpu.vector_load %arg8[%swap3A_60, %swap3A_61] {strides = array<i32>} : memref<128x128xf32, #tpu.memory_space<vmem>>, vector<1x16xf32>,
      %swap3A_63 = vector.shape_cast %swap3A_62 : vector<1x16xf32> to vector<16xf32>
      %swap3A_64 = vector.shape_cast %broadcast_in_dim3A_59 : vector<16xf32> to vector<1x16xf32>
      tpu.vector_store %arg8[%swap3A_60, %swap3A_61], %swap3A_64 {strides = array<i32>} : memref<128x128xf32, #tpu.memory_space<vmem>>, vector<1x16xf32>,
      %broadcast_in_dim3A_65 = arith.constant 0.000000e+00 : f32
      %broadcast_in_dim3A_66 = vector.broadcast %broadcast_in_dim3A_65 : f32 to vector<16xf32>
      %swap3A_67 = arith.index_cast %scan3A_45 : i32 to index
      %swap3A_68 = arith.constant 48 : index
      %swap3A_69 = tpu.vector_load %arg8[%swap3A_67, %swap3A_68] {strides = array<i32>} : memref<128x128xf32, #tpu.memory_space<vmem>>, vector<1x16xf32>,
      %swap3A_70 = vector.shape_cast %swap3A_69 : vector<1x16xf32> to vector<16xf32>
      %swap3A_71 = vector.shape_cast %broadcast_in_dim3A_66 : vector<16xf32> to vector<1x16xf32>
      tpu.vector_store %arg8[%swap3A_67, %swap3A_68], %swap3A_71 {strides = array<i32>} : memref<128x128xf32, #tpu.memory_space<vmem>>, vector<1x16xf32>,
      %broadcast_in_dim3A_72 = arith.constant 0.000000e+00 : f32
      %broadcast_in_dim3A_73 = vector.broadcast %broadcast_in_dim3A_72 : f32 to vector<16xf32>
      %swap3A_74 = arith.index_cast %scan3A_45 : i32 to index
      %swap3A_75 = arith.constant 64 : index
      %swap3A_76 = tpu.vector_load %arg8[%swap3A_74, %swap3A_75] {strides = array<i32>} : memref<128x128xf32, #tpu.memory_space<vmem>>, vector<1x16xf32>,
      %swap3A_77 = vector.shape_cast %swap3A_76 : vector<1x16xf32> to vector<16xf32>
      %swap3A_78 = vector.shape_cast %broadcast_in_dim3A_73 : vector<16xf32> to vector<1x16xf32>
      tpu.vector_store %arg8[%swap3A_74, %swap3A_75], %swap3A_78 {strides = array<i32>} : memref<128x128xf32, #tpu.memory_space<vmem>>, vector<1x16xf32>,
      %broadcast_in_dim3A_79 = arith.constant 0.000000e+00 : f32
      %broadcast_in_dim3A_80 = vector.broadcast %broadcast_in_dim3A_79 : f32 to vector<16xf32>
      %swap3A_81 = arith.index_cast %scan3A_45 : i32 to index
      %swap3A_82 = arith.constant 80 : index
      %swap3A_83 = tpu.vector_load %arg8[%swap3A_81, %swap3A_82] {strides = array<i32>} : memref<128x128xf32, #tpu.memory_space<vmem>>, vector<1x16xf32>,
      %swap3A_84 = vector.shape_cast %swap3A_83 : vector<1x16xf32> to vector<16xf32>
      %swap3A_85 = vector.shape_cast %broadcast_in_dim3A_80 : vector<16xf32> to vector<1x16xf32>
      tpu.vector_store %arg8[%swap3A_81, %swap3A_82], %swap3A_85 {strides = array<i32>} : memref<128x128xf32, #tpu.memory_space<vmem>>, vector<1x16xf32>,
      %broadcast_in_dim3A_86 = arith.constant 0.000000e+00 : f32
      %broadcast_in_dim3A_87 = vector.broadcast %broadcast_in_dim3A_86 : f32 to vector<16xf32>
      %swap3A_88 = arith.index_cast %scan3A_45 : i32 to index
      %swap3A_89 = arith.constant 96 : index
      %swap3A_90 = tpu.vector_load %arg8[%swap3A_88, %swap3A_89] {strides = array<i32>} : memref<128x128xf32, #tpu.memory_space<vmem>>, vector<1x16xf32>,
      %swap3A_91 = vector.shape_cast %swap3A_90 : vector<1x16xf32> to vector<16xf32>
      %swap3A_92 = vector.shape_cast %broadcast_in_dim3A_87 : vector<16xf32> to vector<1x16xf32>
      tpu.vector_store %arg8[%swap3A_88, %swap3A_89], %swap3A_92 {strides = array<i32>} : memref<128x128xf32, #tpu.memory_space<vmem>>, vector<1x16xf32>,
      %broadcast_in_dim3A_93 = arith.constant 0.000000e+00 : f32
      %broadcast_in_dim3A_94 = vector.broadcast %broadcast_in_dim3A_93 : f32 to vector<16xf32>
      %swap3A_95 = arith.index_cast %scan3A_45 : i32 to index
      %swap3A_96 = arith.constant 112 : index
      %swap3A_97 = tpu.vector_load %arg8[%swap3A_95, %swap3A_96] {strides = array<i32>} : memref<128x128xf32, #tpu.memory_space<vmem>>, vector<1x16xf32>,
      %swap3A_98 = vector.shape_cast %swap3A_97 : vector<1x16xf32> to vector<16xf32>
      %swap3A_99 = vector.shape_cast %broadcast_in_dim3A_94 : vector<16xf32> to vector<1x16xf32>
      tpu.vector_store %arg8[%swap3A_95, %swap3A_96], %swap3A_99 {strides = array<i32>} : memref<128x128xf32, #tpu.memory_space<vmem>>, vector<1x16xf32>,
    }
    %scan3A_4 = arith.constant 128 : i32
    %mul3A = arith.constant 632 : i32
    %mul3A_5 = arith.muli %arg1, %mul3A : i32
    %add3A = arith.constant 0 : i32
    %add3A_6 = arith.addi %mul3A_5, %add3A : i32
    %multiple_of3A = tpu.assume_multiple %add3A_6, 8 : i32
    "tpu.region"() ({
      %run_scoped3A = tpu.sem_alloc : memref<!tpu.dma_semaphore, #tpu.memory_space<semaphore_mem>>
      %dma_start3A = arith.constant 0 : i32
      %dma_start3A_45 = tpu.memref_slice %arg10[%multiple_of3A, %dma_start3A] : memref<10112x128xf32, #tpu.memory_space<vmem_shared>> -> memref<128x128xf32, #tpu.memory_space<vmem_shared>>
      %dma_start3A_46 = arith.constant 0 : i32
      %dma_start3A_47 = tpu.memref_slice %arg10[%multiple_of3A, %dma_start3A_46] : memref<10112x128xf32, #tpu.memory_space<vmem_shared>> -> memref<128x128xf32, #tpu.memory_space<vmem_shared>>
      tpu.enqueue_dma source(%arg8 : memref<128x128xf32, #tpu.memory_space<vmem>>) target(%dma_start3A_47 : memref<128x128xf32, #tpu.memory_space<vmem_shared>>) target_semaphore(%run_scoped3A : memref<!tpu.dma_semaphore, #tpu.memory_space<semaphore_mem>>)
      %dma_wait3A = arith.constant 0 : i32
      %dma_wait3A_48 = tpu.memref_slice %arg10[%multiple_of3A, %dma_wait3A] : memref<10112x128xf32, #tpu.memory_space<vmem_shared>> -> memref<128x128xf32, #tpu.memory_space<vmem_shared>>
      %dma_wait3A_49 = arith.constant 0 : i32
      %dma_wait3A_50 = tpu.memref_slice %arg10[%multiple_of3A, %dma_wait3A_49] : memref<10112x128xf32, #tpu.memory_space<vmem_shared>> -> memref<128x128xf32, #tpu.memory_space<vmem_shared>>
      tpu.wait_dma2 semaphore(%run_scoped3A : memref<!tpu.dma_semaphore, #tpu.memory_space<semaphore_mem>>) src(%arg8 : memref<128x128xf32, #tpu.memory_space<vmem>>) dst(%dma_wait3A_50 : memref<128x128xf32, #tpu.memory_space<vmem_shared>>)
      tpu.yield
    }) : () -> ()
    %mul3A_7 = arith.constant 632 : i32
    %mul3A_8 = arith.muli %arg1, %mul3A_7 : i32
    %add3A_9 = arith.constant 128 : i32
    %add3A_10 = arith.addi %mul3A_8, %add3A_9 : i32
    %multiple_of3A_11 = tpu.assume_multiple %add3A_10, 8 : i32
    "tpu.region"() ({
      %run_scoped3A = tpu.sem_alloc : memref<!tpu.dma_semaphore, #tpu.memory_space<semaphore_mem>>
      %dma_start3A = arith.constant 0 : i32
      %dma_start3A_45 = tpu.memref_slice %arg10[%multiple_of3A_11, %dma_start3A] : memref<10112x128xf32, #tpu.memory_space<vmem_shared>> -> memref<128x128xf32, #tpu.memory_space<vmem_shared>>
      %dma_start3A_46 = arith.constant 0 : i32
      %dma_start3A_47 = tpu.memref_slice %arg10[%multiple_of3A_11, %dma_start3A_46] : memref<10112x128xf32, #tpu.memory_space<vmem_shared>> -> memref<128x128xf32, #tpu.memory_space<vmem_shared>>
      tpu.enqueue_dma source(%arg8 : memref<128x128xf32, #tpu.memory_space<vmem>>) target(%dma_start3A_47 : memref<128x128xf32, #tpu.memory_space<vmem_shared>>) target_semaphore(%run_scoped3A : memref<!tpu.dma_semaphore, #tpu.memory_space<semaphore_mem>>)
      %dma_wait3A = arith.constant 0 : i32
      %dma_wait3A_48 = tpu.memref_slice %arg10[%multiple_of3A_11, %dma_wait3A] : memref<10112x128xf32, #tpu.memory_space<vmem_shared>> -> memref<128x128xf32, #tpu.memory_space<vmem_shared>>
      %dma_wait3A_49 = arith.constant 0 : i32
      %dma_wait3A_50 = tpu.memref_slice %arg10[%multiple_of3A_11, %dma_wait3A_49] : memref<10112x128xf32, #tpu.memory_space<vmem_shared>> -> memref<128x128xf32, #tpu.memory_space<vmem_shared>>
      tpu.wait_dma2 semaphore(%run_scoped3A : memref<!tpu.dma_semaphore, #tpu.memory_space<semaphore_mem>>) src(%arg8 : memref<128x128xf32, #tpu.memory_space<vmem>>) dst(%dma_wait3A_50 : memref<128x128xf32, #tpu.memory_space<vmem_shared>>)
      tpu.yield
    }) : () -> ()
    %mul3A_12 = arith.constant 632 : i32
    %mul3A_13 = arith.muli %arg1, %mul3A_12 : i32
    %add3A_14 = arith.constant 256 : i32
    %add3A_15 = arith.addi %mul3A_13, %add3A_14 : i32
    %multiple_of3A_16 = tpu.assume_multiple %add3A_15, 8 : i32
    "tpu.region"() ({
      %run_scoped3A = tpu.sem_alloc : memref<!tpu.dma_semaphore, #tpu.memory_space<semaphore_mem>>
      %dma_start3A = arith.constant 0 : i32
      %dma_start3A_45 = tpu.memref_slice %arg10[%multiple_of3A_16, %dma_start3A] : memref<10112x128xf32, #tpu.memory_space<vmem_shared>> -> memref<128x128xf32, #tpu.memory_space<vmem_shared>>
      %dma_start3A_46 = arith.constant 0 : i32
      %dma_start3A_47 = tpu.memref_slice %arg10[%multiple_of3A_16, %dma_start3A_46] : memref<10112x128xf32, #tpu.memory_space<vmem_shared>> -> memref<128x128xf32, #tpu.memory_space<vmem_shared>>
      tpu.enqueue_dma source(%arg8 : memref<128x128xf32, #tpu.memory_space<vmem>>) target(%dma_start3A_47 : memref<128x128xf32, #tpu.memory_space<vmem_shared>>) target_semaphore(%run_scoped3A : memref<!tpu.dma_semaphore, #tpu.memory_space<semaphore_mem>>)
      %dma_wait3A = arith.constant 0 : i32
      %dma_wait3A_48 = tpu.memref_slice %arg10[%multiple_of3A_16, %dma_wait3A] : memref<10112x128xf32, #tpu.memory_space<vmem_shared>> -> memref<128x128xf32, #tpu.memory_space<vmem_shared>>
      %dma_wait3A_49 = arith.constant 0 : i32
      %dma_wait3A_50 = tpu.memref_slice %arg10[%multiple_of3A_16, %dma_wait3A_49] : memref<10112x128xf32, #tpu.memory_space<vmem_shared>> -> memref<128x128xf32, #tpu.memory_space<vmem_shared>>
      tpu.wait_dma2 semaphore(%run_scoped3A : memref<!tpu.dma_semaphore, #tpu.memory_space<semaphore_mem>>) src(%arg8 : memref<128x128xf32, #tpu.memory_space<vmem>>) dst(%dma_wait3A_50 : memref<128x128xf32, #tpu.memory_space<vmem_shared>>)
      tpu.yield
    }) : () -> ()
    %mul3A_17 = arith.constant 632 : i32
    %mul3A_18 = arith.muli %arg1, %mul3A_17 : i32
    %add3A_19 = arith.constant 384 : i32
    %add3A_20 = arith.addi %mul3A_18, %add3A_19 : i32
    %multiple_of3A_21 = tpu.assume_multiple %add3A_20, 8 : i32
    "tpu.region"() ({
      %run_scoped3A = tpu.sem_alloc : memref<!tpu.dma_semaphore, #tpu.memory_space<semaphore_mem>>
      %dma_start3A = arith.constant 0 : i32
      %dma_start3A_45 = tpu.memref_slice %arg10[%multiple_of3A_21, %dma_start3A] : memref<10112x128xf32, #tpu.memory_space<vmem_shared>> -> memref<128x128xf32, #tpu.memory_space<vmem_shared>>
      %dma_start3A_46 = arith.constant 0 : i32
      %dma_start3A_47 = tpu.memref_slice %arg10[%multiple_of3A_21, %dma_start3A_46] : memref<10112x128xf32, #tpu.memory_space<vmem_shared>> -> memref<128x128xf32, #tpu.memory_space<vmem_shared>>
      tpu.enqueue_dma source(%arg8 : memref<128x128xf32, #tpu.memory_space<vmem>>) target(%dma_start3A_47 : memref<128x128xf32, #tpu.memory_space<vmem_shared>>) target_semaphore(%run_scoped3A : memref<!tpu.dma_semaphore, #tpu.memory_space<semaphore_mem>>)
      %dma_wait3A = arith.constant 0 : i32
      %dma_wait3A_48 = tpu.memref_slice %arg10[%multiple_of3A_21, %dma_wait3A] : memref<10112x128xf32, #tpu.memory_space<vmem_shared>> -> memref<128x128xf32, #tpu.memory_space<vmem_shared>>
      %dma_wait3A_49 = arith.constant 0 : i32
      %dma_wait3A_50 = tpu.memref_slice %arg10[%multiple_of3A_21, %dma_wait3A_49] : memref<10112x128xf32, #tpu.memory_space<vmem_shared>> -> memref<128x128xf32, #tpu.memory_space<vmem_shared>>
      tpu.wait_dma2 semaphore(%run_scoped3A : memref<!tpu.dma_semaphore, #tpu.memory_space<semaphore_mem>>) src(%arg8 : memref<128x128xf32, #tpu.memory_space<vmem>>) dst(%dma_wait3A_50 : memref<128x128xf32, #tpu.memory_space<vmem_shared>>)
      tpu.yield
    }) : () -> ()
    %mul3A_22 = arith.constant 632 : i32
    %mul3A_23 = arith.muli %arg1, %mul3A_22 : i32
    %add3A_24 = arith.constant 512 : i32
    %add3A_25 = arith.addi %mul3A_23, %add3A_24 : i32
    %multiple_of3A_26 = tpu.assume_multiple %add3A_25, 8 : i32
    "tpu.region"() ({
      %run_scoped3A = tpu.sem_alloc : memref<!tpu.dma_semaphore, #tpu.memory_space<semaphore_mem>>
      %dma_start3A = arith.constant 0 : i32
      %dma_start3A_45 = arith.constant 0 : i32
      %dma_start3A_46 = tpu.memref_slice %arg8[%dma_start3A, %dma_start3A_45] : memref<128x128xf32, #tpu.memory_space<vmem>> -> memref<120x128xf32, #tpu.memory_space<vmem>>
      %dma_start3A_47 = arith.constant 0 : i32
      %dma_start3A_48 = tpu.memref_slice %arg10[%multiple_of3A_26, %dma_start3A_47] : memref<10112x128xf32, #tpu.memory_space<vmem_shared>> -> memref<120x128xf32, #tpu.memory_space<vmem_shared>>
      %dma_start3A_49 = arith.constant 0 : i32
      %dma_start3A_50 = tpu.memref_slice %arg10[%multiple_of3A_26, %dma_start3A_49] : memref<10112x128xf32, #tpu.memory_space<vmem_shared>> -> memref<120x128xf32, #tpu.memory_space<vmem_shared>>
      %dma_start3A_51 = arith.constant 0 : i32
      %dma_start3A_52 = arith.constant 0 : i32
      %dma_start3A_53 = tpu.memref_slice %arg8[%dma_start3A_51, %dma_start3A_52] : memref<128x128xf32, #tpu.memory_space<vmem>> -> memref<120x128xf32, #tpu.memory_space<vmem>>
      tpu.enqueue_dma source(%dma_start3A_53 : memref<120x128xf32, #tpu.memory_space<vmem>>) target(%dma_start3A_50 : memref<120x128xf32, #tpu.memory_space<vmem_shared>>) target_semaphore(%run_scoped3A : memref<!tpu.dma_semaphore, #tpu.memory_space<semaphore_mem>>)
      %dma_wait3A = arith.constant 0 : i32
      %dma_wait3A_54 = arith.constant 0 : i32
      %dma_wait3A_55 = tpu.memref_slice %arg8[%dma_wait3A, %dma_wait3A_54] : memref<128x128xf32, #tpu.memory_space<vmem>> -> memref<120x128xf32, #tpu.memory_space<vmem>>
      %dma_wait3A_56 = arith.constant 0 : i32
      %dma_wait3A_57 = tpu.memref_slice %arg10[%multiple_of3A_26, %dma_wait3A_56] : memref<10112x128xf32, #tpu.memory_space<vmem_shared>> -> memref<120x128xf32, #tpu.memory_space<vmem_shared>>
      %dma_wait3A_58 = arith.constant 0 : i32
      %dma_wait3A_59 = tpu.memref_slice %arg10[%multiple_of3A_26, %dma_wait3A_58] : memref<10112x128xf32, #tpu.memory_space<vmem_shared>> -> memref<120x128xf32, #tpu.memory_space<vmem_shared>>
      %dma_wait3A_60 = arith.constant 0 : i32
      %dma_wait3A_61 = arith.constant 0 : i32
      %dma_wait3A_62 = tpu.memref_slice %arg8[%dma_wait3A_60, %dma_wait3A_61] : memref<128x128xf32, #tpu.memory_space<vmem>> -> memref<120x128xf32, #tpu.memory_space<vmem>>
      tpu.wait_dma2 semaphore(%run_scoped3A : memref<!tpu.dma_semaphore, #tpu.memory_space<semaphore_mem>>) src(%dma_wait3A_62 : memref<120x128xf32, #tpu.memory_space<vmem>>) dst(%dma_wait3A_59 : memref<120x128xf32, #tpu.memory_space<vmem_shared>>)
      tpu.yield
    }) : () -> ()
    %barrier3A = arith.constant 0 : index
    tpu.barrier barrier_id(%barrier3A)
    %mul3A_27 = arith.constant 160 : i32
    %mul3A_28 = arith.muli %arg1, %mul3A_27 : i32
    %scan3A_29 = arith.constant 0 : i32
    %scan3A_30 = arith.constant 0 : i32
    %scan3A_31 = arith.constant 4 : i32
    %scan3A_32 = arith.addi %scan3A_30, %scan3A_31 : i32
    %scan3A_33 = arith.constant 1 : i32
    scf.for %scan3A_45 = %scan3A_30 to %scan3A_32 step %scan3A_33  : i32 {
      %mul3A_46 = arith.constant 40 : i32
      %mul3A_47 = arith.muli %scan3A_45, %mul3A_46 : i32
      %add3A_48 = arith.addi %mul3A_28, %mul3A_47 : i32
      %multiple_of3A_49 = tpu.assume_multiple %add3A_48, 8 : i32
      "tpu.region"() ({
        %run_scoped3A = tpu.sem_alloc : memref<!tpu.dma_semaphore, #tpu.memory_space<semaphore_mem>>
        %dma_start3A_62 = arith.constant 0 : i32
        %dma_start3A_63 = tpu.memref_slice %arg3[%arg0, %multiple_of3A_49, %dma_start3A_62] : memref<2x2560x128xi32, #tpu.memory_space<hbm>> -> memref<1x40x128xi32, #tpu.memory_space<hbm>>
        %dma_start3A_64 = tpu.memref_squeeze %dma_start3A_63 : memref<1x40x128xi32, #tpu.memory_space<hbm>> -> memref<40x128xi32, #tpu.memory_space<hbm>>
        %dma_start3A_65 = arith.constant 0 : i32
        %dma_start3A_66 = tpu.memref_slice %arg3[%arg0, %multiple_of3A_49, %dma_start3A_65] : memref<2x2560x128xi32, #tpu.memory_space<hbm>> -> memref<1x40x128xi32, #tpu.memory_space<hbm>>
        %dma_start3A_67 = tpu.memref_squeeze %dma_start3A_66 : memref<1x40x128xi32, #tpu.memory_space<hbm>> -> memref<40x128xi32, #tpu.memory_space<hbm>>
        tpu.enqueue_dma source(%dma_start3A_67 : memref<40x128xi32, #tpu.memory_space<hbm>>) target(%arg6 : memref<40x128xi32, #tpu.memory_space<vmem>>) target_semaphore(%run_scoped3A : memref<!tpu.dma_semaphore, #tpu.memory_space<semaphore_mem>>)
        %dma_wait3A = arith.constant 0 : i32
        %dma_wait3A_68 = tpu.memref_slice %arg3[%arg0, %multiple_of3A_49, %dma_wait3A] : memref<2x2560x128xi32, #tpu.memory_space<hbm>> -> memref<1x40x128xi32, #tpu.memory_space<hbm>>
        %dma_wait3A_69 = tpu.memref_squeeze %dma_wait3A_68 : memref<1x40x128xi32, #tpu.memory_space<hbm>> -> memref<40x128xi32, #tpu.memory_space<hbm>>
        %dma_wait3A_70 = arith.constant 0 : i32
        %dma_wait3A_71 = tpu.memref_slice %arg3[%arg0, %multiple_of3A_49, %dma_wait3A_70] : memref<2x2560x128xi32, #tpu.memory_space<hbm>> -> memref<1x40x128xi32, #tpu.memory_space<hbm>>
        %dma_wait3A_72 = tpu.memref_squeeze %dma_wait3A_71 : memref<1x40x128xi32, #tpu.memory_space<hbm>> -> memref<40x128xi32, #tpu.memory_space<hbm>>
        tpu.wait_dma2 semaphore(%run_scoped3A : memref<!tpu.dma_semaphore, #tpu.memory_space<semaphore_mem>>) src(%dma_wait3A_72 : memref<40x128xi32, #tpu.memory_space<hbm>>) dst(%arg6 : memref<40x128xi32, #tpu.memory_space<vmem>>)
        tpu.yield
      }) : () -> ()
      "tpu.region"() ({
        %run_scoped3A = tpu.sem_alloc : memref<!tpu.dma_semaphore, #tpu.memory_space<semaphore_mem>>
        %dma_start3A_62 = arith.constant 0 : i32
        %dma_start3A_63 = tpu.memref_slice %arg4[%multiple_of3A_49, %dma_start3A_62] : memref<2560x128xi32, #tpu.memory_space<hbm>> -> memref<40x128xi32, #tpu.memory_space<hbm>>
        %dma_start3A_64 = arith.constant 0 : i32
        %dma_start3A_65 = tpu.memref_slice %arg4[%multiple_of3A_49, %dma_start3A_64] : memref<2560x128xi32, #tpu.memory_space<hbm>> -> memref<40x128xi32, #tpu.memory_space<hbm>>
        tpu.enqueue_dma source(%dma_start3A_65 : memref<40x128xi32, #tpu.memory_space<hbm>>) target(%arg7 : memref<40x128xi32, #tpu.memory_space<vmem>>) target_semaphore(%run_scoped3A : memref<!tpu.dma_semaphore, #tpu.memory_space<semaphore_mem>>)
        %dma_wait3A = arith.constant 0 : i32
        %dma_wait3A_66 = tpu.memref_slice %arg4[%multiple_of3A_49, %dma_wait3A] : memref<2560x128xi32, #tpu.memory_space<hbm>> -> memref<40x128xi32, #tpu.memory_space<hbm>>
        %dma_wait3A_67 = arith.constant 0 : i32
        %dma_wait3A_68 = tpu.memref_slice %arg4[%multiple_of3A_49, %dma_wait3A_67] : memref<2560x128xi32, #tpu.memory_space<hbm>> -> memref<40x128xi32, #tpu.memory_space<hbm>>
        tpu.wait_dma2 semaphore(%run_scoped3A : memref<!tpu.dma_semaphore, #tpu.memory_space<semaphore_mem>>) src(%dma_wait3A_68 : memref<40x128xi32, #tpu.memory_space<hbm>>) dst(%arg7 : memref<40x128xi32, #tpu.memory_space<vmem>>)
        tpu.yield
      }) : () -> ()
      %dma_start3A = arith.constant 0 : i32
      %dma_start3A_50 = arith.constant 0 : i32
      %dma_start3A_51 = tpu.memref_slice %arg6[%dma_start3A, %dma_start3A_50] : memref<40x128xi32, #tpu.memory_space<vmem>> -> memref<1x128xi32, #tpu.memory_space<vmem>>
      %dma_start3A_52 = tpu.memref_squeeze %dma_start3A_51 : memref<1x128xi32, #tpu.memory_space<vmem>> -> memref<128xi32, #tpu.memory_space<vmem>>
      %dma_start3A_53 = arith.constant 0 : i32
      %dma_start3A_54 = arith.constant 0 : i32
      %dma_start3A_55 = tpu.memref_slice %arg2[%dma_start3A_53, %dma_start3A_54] : memref<20000x128xf32, #tpu.memory_space<hbm>> -> memref<20000x128xf32, #tpu.memory_space<hbm>>
      tpu.enqueue_indirect_dma source(%dma_start3A_55 : memref<20000x128xf32, #tpu.memory_space<hbm>>) target(%arg8 : memref<128x128xf32, #tpu.memory_space<vmem>>) offsets(%dma_start3A_52 : memref<128xi32, #tpu.memory_space<vmem>>) semaphore(%arg11 : memref<!tpu.dma_semaphore, #tpu.memory_space<semaphore_mem>>)
      %scan3A_56 = arith.constant 0 : i32
      %scan3A_57 = arith.constant 0 : i32
      %scan3A_58 = arith.constant 20 : i32
      %scan3A_59 = arith.addi %scan3A_57, %scan3A_58 : i32
      %scan3A_60 = arith.constant 1 : i32
      scf.for %scan3A_62 = %scan3A_57 to %scan3A_59 step %scan3A_60  : i32 {
        %mul3A_63 = arith.constant 2 : i32
        %mul3A_64 = arith.muli %scan3A_62, %mul3A_63 : i32
        %add3A_65 = arith.constant 1 : i32
        %add3A_66 = arith.addi %mul3A_64, %add3A_65 : i32
        %dma_start3A_67 = arith.constant 0 : i32
        %dma_start3A_68 = tpu.memref_slice %arg6[%add3A_66, %dma_start3A_67] : memref<40x128xi32, #tpu.memory_space<vmem>> -> memref<1x128xi32, #tpu.memory_space<vmem>>
        %dma_start3A_69 = tpu.memref_squeeze %dma_start3A_68 : memref<1x128xi32, #tpu.memory_space<vmem>> -> memref<128xi32, #tpu.memory_space<vmem>>
        %dma_start3A_70 = arith.constant 0 : i32
        %dma_start3A_71 = arith.constant 0 : i32
        %dma_start3A_72 = tpu.memref_slice %arg2[%dma_start3A_70, %dma_start3A_71] : memref<20000x128xf32, #tpu.memory_space<hbm>> -> memref<20000x128xf32, #tpu.memory_space<hbm>>
        tpu.enqueue_indirect_dma source(%dma_start3A_72 : memref<20000x128xf32, #tpu.memory_space<hbm>>) target(%arg9 : memref<128x128xf32, #tpu.memory_space<vmem>>) offsets(%dma_start3A_69 : memref<128xi32, #tpu.memory_space<vmem>>) semaphore(%arg12 : memref<!tpu.dma_semaphore, #tpu.memory_space<semaphore_mem>>)
        %dma_wait3A = arith.constant 0 : i32
        %dma_wait3A_73 = tpu.memref_slice %arg6[%mul3A_64, %dma_wait3A] : memref<40x128xi32, #tpu.memory_space<vmem>> -> memref<1x128xi32, #tpu.memory_space<vmem>>
        %dma_wait3A_74 = tpu.memref_squeeze %dma_wait3A_73 : memref<1x128xi32, #tpu.memory_space<vmem>> -> memref<128xi32, #tpu.memory_space<vmem>>
        %dma_wait3A_75 = arith.constant 0 : i32
        %dma_wait3A_76 = arith.constant 0 : i32
        %dma_wait3A_77 = tpu.memref_slice %arg2[%dma_wait3A_75, %dma_wait3A_76] : memref<20000x128xf32, #tpu.memory_space<hbm>> -> memref<20000x128xf32, #tpu.memory_space<hbm>>
        tpu.wait_indirect_dma semaphore(%arg11 : memref<!tpu.dma_semaphore, #tpu.memory_space<semaphore_mem>>) src(%dma_wait3A_77 : memref<20000x128xf32, #tpu.memory_space<hbm>>) dst(%arg8 : memref<128x128xf32, #tpu.memory_space<vmem>>)
        "tpu.region"() ({
          %run_scoped3A = tpu.sem_alloc : memref<!tpu.dma_semaphore, #tpu.memory_space<semaphore_mem>>
          %dma_start3A_95 = arith.constant 0 : i32
          %dma_start3A_96 = tpu.memref_slice %arg7[%mul3A_64, %dma_start3A_95] : memref<40x128xi32, #tpu.memory_space<vmem>> -> memref<1x128xi32, #tpu.memory_space<vmem>>
          %dma_start3A_97 = tpu.memref_squeeze %dma_start3A_96 : memref<1x128xi32, #tpu.memory_space<vmem>> -> memref<128xi32, #tpu.memory_space<vmem>>
          %dma_start3A_98 = arith.constant 0 : i32
          %dma_start3A_99 = arith.constant 0 : i32
          %dma_start3A_100 = tpu.memref_slice %arg10[%dma_start3A_98, %dma_start3A_99] : memref<10112x128xf32, #tpu.memory_space<vmem_shared>> -> memref<10112x128xf32, #tpu.memory_space<vmem_shared>>
          tpu.enqueue_indirect_dma source(%arg8 : memref<128x128xf32, #tpu.memory_space<vmem>>) target(%dma_start3A_100 : memref<10112x128xf32, #tpu.memory_space<vmem_shared>>) offsets(%dma_start3A_97 : memref<128xi32, #tpu.memory_space<vmem>>) semaphore(%run_scoped3A : memref<!tpu.dma_semaphore, #tpu.memory_space<semaphore_mem>>) {add = true}
          %dma_wait3A_101 = arith.constant 0 : i32
          %dma_wait3A_102 = tpu.memref_slice %arg7[%mul3A_64, %dma_wait3A_101] : memref<40x128xi32, #tpu.memory_space<vmem>> -> memref<1x128xi32, #tpu.memory_space<vmem>>
          %dma_wait3A_103 = tpu.memref_squeeze %dma_wait3A_102 : memref<1x128xi32, #tpu.memory_space<vmem>> -> memref<128xi32, #tpu.memory_space<vmem>>
          %dma_wait3A_104 = arith.constant 0 : i32
          %dma_wait3A_105 = arith.constant 0 : i32
          %dma_wait3A_106 = tpu.memref_slice %arg10[%dma_wait3A_104, %dma_wait3A_105] : memref<10112x128xf32, #tpu.memory_space<vmem_shared>> -> memref<10112x128xf32, #tpu.memory_space<vmem_shared>>
          tpu.wait_indirect_dma semaphore(%run_scoped3A : memref<!tpu.dma_semaphore, #tpu.memory_space<semaphore_mem>>) src(%arg8 : memref<128x128xf32, #tpu.memory_space<vmem>>) dst(%dma_wait3A_106 : memref<10112x128xf32, #tpu.memory_space<vmem_shared>>)
          tpu.yield
        }) : () -> ()
        %add3A_78 = arith.constant 2 : i32
        %add3A_79 = arith.addi %mul3A_64, %add3A_78 : i32
        %lt3A_80 = arith.constant 40 : i32
        %lt3A_81 = arith.cmpi slt, %add3A_79, %lt3A_80 : i32
        %convert_element_type3A_82 = arith.extui %lt3A_81 : i1 to i32
        %cond3A_83 = arith.constant 0 : i32
        %cond3A_84 = arith.cmpi ne, %convert_element_type3A_82, %cond3A_83 : i32
        scf.if %cond3A_84 {
          %add3A_95 = arith.constant 2 : i32
          %add3A_96 = arith.addi %mul3A_64, %add3A_95 : i32
          %dma_start3A_97 = arith.constant 0 : i32
          %dma_start3A_98 = tpu.memref_slice %arg6[%add3A_96, %dma_start3A_97] : memref<40x128xi32, #tpu.memory_space<vmem>> -> memref<1x128xi32, #tpu.memory_space<vmem>>
          %dma_start3A_99 = tpu.memref_squeeze %dma_start3A_98 : memref<1x128xi32, #tpu.memory_space<vmem>> -> memref<128xi32, #tpu.memory_space<vmem>>
          %dma_start3A_100 = arith.constant 0 : i32
          %dma_start3A_101 = arith.constant 0 : i32
          %dma_start3A_102 = tpu.memref_slice %arg2[%dma_start3A_100, %dma_start3A_101] : memref<20000x128xf32, #tpu.memory_space<hbm>> -> memref<20000x128xf32, #tpu.memory_space<hbm>>
          tpu.enqueue_indirect_dma source(%dma_start3A_102 : memref<20000x128xf32, #tpu.memory_space<hbm>>) target(%arg8 : memref<128x128xf32, #tpu.memory_space<vmem>>) offsets(%dma_start3A_99 : memref<128xi32, #tpu.memory_space<vmem>>) semaphore(%arg11 : memref<!tpu.dma_semaphore, #tpu.memory_space<semaphore_mem>>)
        } else {
        }
        %add3A_85 = arith.constant 1 : i32
        %add3A_86 = arith.addi %mul3A_64, %add3A_85 : i32
        %dma_wait3A_87 = arith.constant 0 : i32
        %dma_wait3A_88 = tpu.memref_slice %arg6[%add3A_86, %dma_wait3A_87] : memref<40x128xi32, #tpu.memory_space<vmem>> -> memref<1x128xi32, #tpu.memory_space<vmem>>
        %dma_wait3A_89 = tpu.memref_squeeze %dma_wait3A_88 : memref<1x128xi32, #tpu.memory_space<vmem>> -> memref<128xi32, #tpu.memory_space<vmem>>
        %dma_wait3A_90 = arith.constant 0 : i32
        %dma_wait3A_91 = arith.constant 0 : i32
        %dma_wait3A_92 = tpu.memref_slice %arg2[%dma_wait3A_90, %dma_wait3A_91] : memref<20000x128xf32, #tpu.memory_space<hbm>> -> memref<20000x128xf32, #tpu.memory_space<hbm>>
        tpu.wait_indirect_dma semaphore(%arg12 : memref<!tpu.dma_semaphore, #tpu.memory_space<semaphore_mem>>) src(%dma_wait3A_92 : memref<20000x128xf32, #tpu.memory_space<hbm>>) dst(%arg9 : memref<128x128xf32, #tpu.memory_space<vmem>>)
        %add3A_93 = arith.constant 1 : i32
        %add3A_94 = arith.addi %mul3A_64, %add3A_93 : i32
        "tpu.region"() ({
          %run_scoped3A = tpu.sem_alloc : memref<!tpu.dma_semaphore, #tpu.memory_space<semaphore_mem>>
          %dma_start3A_95 = arith.constant 0 : i32
          %dma_start3A_96 = tpu.memref_slice %arg7[%add3A_94, %dma_start3A_95] : memref<40x128xi32, #tpu.memory_space<vmem>> -> memref<1x128xi32, #tpu.memory_space<vmem>>
          %dma_start3A_97 = tpu.memref_squeeze %dma_start3A_96 : memref<1x128xi32, #tpu.memory_space<vmem>> -> memref<128xi32, #tpu.memory_space<vmem>>
          %dma_start3A_98 = arith.constant 0 : i32
          %dma_start3A_99 = arith.constant 0 : i32
          %dma_start3A_100 = tpu.memref_slice %arg10[%dma_start3A_98, %dma_start3A_99] : memref<10112x128xf32, #tpu.memory_space<vmem_shared>> -> memref<10112x128xf32, #tpu.memory_space<vmem_shared>>
          tpu.enqueue_indirect_dma source(%arg9 : memref<128x128xf32, #tpu.memory_space<vmem>>) target(%dma_start3A_100 : memref<10112x128xf32, #tpu.memory_space<vmem_shared>>) offsets(%dma_start3A_97 : memref<128xi32, #tpu.memory_space<vmem>>) semaphore(%run_scoped3A : memref<!tpu.dma_semaphore, #tpu.memory_space<semaphore_mem>>) {add = true}
          %dma_wait3A_101 = arith.constant 0 : i32
          %dma_wait3A_102 = tpu.memref_slice %arg7[%add3A_94, %dma_wait3A_101] : memref<40x128xi32, #tpu.memory_space<vmem>> -> memref<1x128xi32, #tpu.memory_space<vmem>>
          %dma_wait3A_103 = tpu.memref_squeeze %dma_wait3A_102 : memref<1x128xi32, #tpu.memory_space<vmem>> -> memref<128xi32, #tpu.memory_space<vmem>>
          %dma_wait3A_104 = arith.constant 0 : i32
          %dma_wait3A_105 = arith.constant 0 : i32
          %dma_wait3A_106 = tpu.memref_slice %arg10[%dma_wait3A_104, %dma_wait3A_105] : memref<10112x128xf32, #tpu.memory_space<vmem_shared>> -> memref<10112x128xf32, #tpu.memory_space<vmem_shared>>
          tpu.wait_indirect_dma semaphore(%run_scoped3A : memref<!tpu.dma_semaphore, #tpu.memory_space<semaphore_mem>>) src(%arg9 : memref<128x128xf32, #tpu.memory_space<vmem>>) dst(%dma_wait3A_106 : memref<10112x128xf32, #tpu.memory_space<vmem_shared>>)
          tpu.yield
        }) : () -> ()
      }
      %scan3A_61 = arith.constant 20 : i32
    }
    %scan3A_34 = arith.constant 4 : i32
    %barrier3A_35 = arith.constant 0 : index
    tpu.barrier barrier_id(%barrier3A_35)
    %mul3A_36 = arith.constant 624 : i32
    %mul3A_37 = arith.muli %arg1, %mul3A_36 : i32
    %multiple_of3A_38 = tpu.assume_multiple %mul3A_37, 8 : i32
    %lt3A = arith.constant 15 : i32
    %lt3A_39 = arith.cmpi slt, %arg1, %lt3A : i32
    %convert_element_type3A = arith.extui %lt3A_39 : i1 to i32
    %cond3A = arith.constant 0 : i32
    %cond3A_40 = arith.cmpi ne, %convert_element_type3A, %cond3A : i32
    scf.if %cond3A_40 {
      "tpu.region"() ({
        %run_scoped3A = tpu.sem_alloc : memref<!tpu.dma_semaphore, #tpu.memory_space<semaphore_mem>>
        %dma_start3A = arith.constant 0 : i32
        %dma_start3A_45 = tpu.memref_slice %arg5[%arg0, %multiple_of3A_38, %dma_start3A] : memref<2x10000x128xf32, #tpu.memory_space<hbm>> -> memref<1x624x128xf32, #tpu.memory_space<hbm>>
        %dma_start3A_46 = tpu.memref_squeeze %dma_start3A_45 : memref<1x624x128xf32, #tpu.memory_space<hbm>> -> memref<624x128xf32, #tpu.memory_space<hbm>>
        %dma_start3A_47 = arith.constant 0 : i32
        %dma_start3A_48 = tpu.memref_slice %arg10[%multiple_of3A_38, %dma_start3A_47] : memref<10112x128xf32, #tpu.memory_space<vmem_shared>> -> memref<624x128xf32, #tpu.memory_space<vmem_shared>>
        tpu.enqueue_dma source(%dma_start3A_48 : memref<624x128xf32, #tpu.memory_space<vmem_shared>>) target(%dma_start3A_46 : memref<624x128xf32, #tpu.memory_space<hbm>>) target_semaphore(%run_scoped3A : memref<!tpu.dma_semaphore, #tpu.memory_space<semaphore_mem>>)
        %dma_wait3A = arith.constant 0 : i32
        %dma_wait3A_49 = tpu.memref_slice %arg5[%arg0, %multiple_of3A_38, %dma_wait3A] : memref<2x10000x128xf32, #tpu.memory_space<hbm>> -> memref<1x624x128xf32, #tpu.memory_space<hbm>>
        %dma_wait3A_50 = tpu.memref_squeeze %dma_wait3A_49 : memref<1x624x128xf32, #tpu.memory_space<hbm>> -> memref<624x128xf32, #tpu.memory_space<hbm>>
        %dma_wait3A_51 = arith.constant 0 : i32
        %dma_wait3A_52 = tpu.memref_slice %arg10[%multiple_of3A_38, %dma_wait3A_51] : memref<10112x128xf32, #tpu.memory_space<vmem_shared>> -> memref<624x128xf32, #tpu.memory_space<vmem_shared>>
        tpu.wait_dma2 semaphore(%run_scoped3A : memref<!tpu.dma_semaphore, #tpu.memory_space<semaphore_mem>>) src(%dma_wait3A_52 : memref<624x128xf32, #tpu.memory_space<vmem_shared>>) dst(%dma_wait3A_50 : memref<624x128xf32, #tpu.memory_space<hbm>>)
        tpu.yield
      }) : () -> ()
    } else {
    }
    %eq3A = arith.constant 15 : i32
    %eq3A_41 = arith.cmpi eq, %arg1, %eq3A : i32
    %convert_element_type3A_42 = arith.extui %eq3A_41 : i1 to i32
    %cond3A_43 = arith.constant 0 : i32
    %cond3A_44 = arith.cmpi ne, %convert_element_type3A_42, %cond3A_43 : i32
    scf.if %cond3A_44 {
      "tpu.region"() ({
        %run_scoped3A = tpu.sem_alloc : memref<!tpu.dma_semaphore, #tpu.memory_space<semaphore_mem>>
        %dma_start3A = arith.constant 9360 : i32
        %dma_start3A_45 = arith.constant 0 : i32
        %dma_start3A_46 = tpu.memref_slice %arg5[%arg0, %dma_start3A, %dma_start3A_45] : memref<2x10000x128xf32, #tpu.memory_space<hbm>> -> memref<1x640x128xf32, #tpu.memory_space<hbm>>
        %dma_start3A_47 = tpu.memref_squeeze %dma_start3A_46 : memref<1x640x128xf32, #tpu.memory_space<hbm>> -> memref<640x128xf32, #tpu.memory_space<hbm>>
        %dma_start3A_48 = arith.constant 9360 : i32
        %dma_start3A_49 = arith.constant 0 : i32
        %dma_start3A_50 = tpu.memref_slice %arg10[%dma_start3A_48, %dma_start3A_49] : memref<10112x128xf32, #tpu.memory_space<vmem_shared>> -> memref<640x128xf32, #tpu.memory_space<vmem_shared>>
        tpu.enqueue_dma source(%dma_start3A_50 : memref<640x128xf32, #tpu.memory_space<vmem_shared>>) target(%dma_start3A_47 : memref<640x128xf32, #tpu.memory_space<hbm>>) target_semaphore(%run_scoped3A : memref<!tpu.dma_semaphore, #tpu.memory_space<semaphore_mem>>)
        %dma_wait3A = arith.constant 9360 : i32
        %dma_wait3A_51 = arith.constant 0 : i32
        %dma_wait3A_52 = tpu.memref_slice %arg5[%arg0, %dma_wait3A, %dma_wait3A_51] : memref<2x10000x128xf32, #tpu.memory_space<hbm>> -> memref<1x640x128xf32, #tpu.memory_space<hbm>>
        %dma_wait3A_53 = tpu.memref_squeeze %dma_wait3A_52 : memref<1x640x128xf32, #tpu.memory_space<hbm>> -> memref<640x128xf32, #tpu.memory_space<hbm>>
        %dma_wait3A_54 = arith.constant 9360 : i32
        %dma_wait3A_55 = arith.constant 0 : i32
        %dma_wait3A_56 = tpu.memref_slice %arg10[%dma_wait3A_54, %dma_wait3A_55] : memref<10112x128xf32, #tpu.memory_space<vmem_shared>> -> memref<640x128xf32, #tpu.memory_space<vmem_shared>>
        tpu.wait_dma2 semaphore(%run_scoped3A : memref<!tpu.dma_semaphore, #tpu.memory_space<semaphore_mem>>) src(%dma_wait3A_56 : memref<640x128xf32, #tpu.memory_space<vmem_shared>>) dst(%dma_wait3A_53 : memref<640x128xf32, #tpu.memory_space<hbm>>)
        tpu.yield
      }) : () -> ()
    } else {
    }
    return
  }
}

module attributes {stable_mosaic.version = 14 : i64} {
  func.func @body(%arg0: i32, %arg1: i32, %arg2: memref<2x1xf32, #tpu.memory_space<smem>>, %arg3: memref<2000x128xf32, #tpu.memory_space<vmem>>, %arg4: memref<1x2000x128xf32, #tpu.memory_space<vmem>>, %arg5: memref<1x2000x128xf32, #tpu.memory_space<vmem>>, %arg6: memref<1x128x256xf32, #tpu.memory_space<vmem>>, %arg7: memref<1x1x256xf32, #tpu.memory_space<vmem>>, %arg8: memref<1x256x128xf32, #tpu.memory_space<vmem>>, %arg9: memref<1x1x128xf32, #tpu.memory_space<vmem>>, %arg10: memref<2000x128xf32, #tpu.memory_space<vmem>>) attributes {dimension_semantics = [#tpu.dimension_semantics<arbitrary>, #tpu.dimension_semantics<arbitrary>], iteration_bounds = array<i64: 2, 5>, scalar_prefetch = 0 : i64, scratch_operands = 0 : i64, tpu.core_type = #tpu.core_type<tc>, window_params = [{transform_indices = @transform_0, window_bounds = array<i64: 2, 1>}, {transform_indices = @transform_1, window_bounds = array<i64: 2000, 128>}, {transform_indices = @transform_2, window_bounds = array<i64: 1, 2000, 128>}, {transform_indices = @transform_3, window_bounds = array<i64: 1, 2000, 128>}, {transform_indices = @transform_4, window_bounds = array<i64: 1, 128, 256>}, {transform_indices = @transform_5, window_bounds = array<i64: 1, 1, 256>}, {transform_indices = @transform_6, window_bounds = array<i64: 1, 256, 128>}, {transform_indices = @transform_7, window_bounds = array<i64: 1, 1, 128>}, {transform_indices = @transform_8, window_bounds = array<i64: 2000, 128>}]} {
    %get3A = arith.constant 0 : index
    %get3A_0 = arith.constant 0 : index
    %get3A_1 = arith.constant 0 : index
    %get3A_2 = vector.load %arg4[%get3A, %get3A_0, %get3A_1] : memref<1x2000x128xf32, #tpu.memory_space<vmem>>, vector<1x2000x128xf32>
    %get3A_3 = vector.shape_cast %get3A_2 : vector<1x2000x128xf32> to vector<2000x128xf32>
    %get3A_4 = arith.constant 0 : index
    %get3A_5 = arith.constant 0 : index
    %get3A_6 = arith.constant 0 : index
    %get3A_7 = vector.load %arg5[%get3A_4, %get3A_5, %get3A_6] : memref<1x2000x128xf32, #tpu.memory_space<vmem>>, vector<1x2000x128xf32>
    %get3A_8 = vector.shape_cast %get3A_7 : vector<1x2000x128xf32> to vector<2000x128xf32>
    %add3A = arith.addf %get3A_3, %get3A_8 : vector<2000x128xf32>
    %get3A_9 = arith.constant 0 : index
    %get3A_10 = arith.constant 0 : index
    %get3A_11 = memref.load %arg2[%get3A_9, %get3A_10] : memref<2x1xf32, #tpu.memory_space<smem>>
    %add3A_12 = arith.constant 1.000000e+00 : f32
    %add3A_13 = arith.addf %add3A_12, %get3A_11 : f32
    %get3A_14 = arith.constant 0 : index
    %get3A_15 = arith.constant 0 : index
    %get3A_16 = vector.load %arg3[%get3A_14, %get3A_15] : memref<2000x128xf32, #tpu.memory_space<vmem>>, vector<2000x128xf32>
    %mul3A = vector.broadcast %add3A_13 : f32 to vector<2000x128xf32>
    %mul3A_17 = arith.mulf %mul3A, %get3A_16 : vector<2000x128xf32>
    %add3A_18 = arith.addf %mul3A_17, %add3A : vector<2000x128xf32>
    %get3A_19 = arith.constant 0 : index
    %get3A_20 = arith.constant 0 : index
    %get3A_21 = arith.constant 0 : index
    %get3A_22 = vector.load %arg6[%get3A_19, %get3A_20, %get3A_21] : memref<1x128x256xf32, #tpu.memory_space<vmem>>, vector<1x128x256xf32>
    %get3A_23 = vector.shape_cast %get3A_22 : vector<1x128x256xf32> to vector<128x256xf32>
    %dot_general3A = arith.constant dense<0.000000e+00> : vector<2000x256xf32>
    %dot_general3A_24 = tpu.matmul %add3A_18, %get3A_23, %dot_general3A {dimension_numbers = #tpu.dot_dimension_numbers<[1], [0], [0], [1], [0, 0, 1, 1], [], []>, transpose_lhs_hint = false} : vector<2000x128xf32>, vector<128x256xf32>, vector<2000x256xf32> -> vector<2000x256xf32>
    %get3A_25 = arith.constant 0 : index
    %get3A_26 = arith.constant 0 : index
    %get3A_27 = arith.constant 0 : index
    %get3A_28 = vector.load %arg7[%get3A_25, %get3A_26, %get3A_27] : memref<1x1x256xf32, #tpu.memory_space<vmem>>, vector<1x1x256xf32>
    %get3A_29 = vector.shape_cast %get3A_28 : vector<1x1x256xf32> to vector<1x256xf32>
    %add3A_30 = vector.broadcast %get3A_29 : vector<1x256xf32> to vector<2000x256xf32>
    %add3A_31 = arith.addf %dot_general3A_24, %add3A_30 : vector<2000x256xf32>
    %max3A = arith.constant 0.000000e+00 : f32
    %max3A_32 = vector.broadcast %max3A : f32 to vector<2000x256xf32>
    %max3A_33 = arith.maximumf %add3A_31, %max3A_32 : vector<2000x256xf32>
    %get3A_34 = arith.constant 0 : index
    %get3A_35 = arith.constant 0 : index
    %get3A_36 = arith.constant 0 : index
    %get3A_37 = vector.load %arg8[%get3A_34, %get3A_35, %get3A_36] : memref<1x256x128xf32, #tpu.memory_space<vmem>>, vector<1x256x128xf32>
    %get3A_38 = vector.shape_cast %get3A_37 : vector<1x256x128xf32> to vector<256x128xf32>
    %dot_general3A_39 = arith.constant dense<0.000000e+00> : vector<2000x128xf32>
    %dot_general3A_40 = tpu.matmul %max3A_33, %get3A_38, %dot_general3A_39 {dimension_numbers = #tpu.dot_dimension_numbers<[1], [0], [0], [1], [0, 0, 1, 1], [], []>, transpose_lhs_hint = false} : vector<2000x256xf32>, vector<256x128xf32>, vector<2000x128xf32> -> vector<2000x128xf32>
    %get3A_41 = arith.constant 0 : index
    %get3A_42 = arith.constant 0 : index
    %get3A_43 = arith.constant 0 : index
    %get3A_44 = vector.load %arg9[%get3A_41, %get3A_42, %get3A_43] : memref<1x1x128xf32, #tpu.memory_space<vmem>>, vector<1x1x128xf32>
    %get3A_45 = vector.shape_cast %get3A_44 : vector<1x1x128xf32> to vector<1x128xf32>
    %add3A_46 = vector.broadcast %get3A_45 : vector<1x128xf32> to vector<2000x128xf32>
    %add3A_47 = arith.addf %dot_general3A_40, %add3A_46 : vector<2000x128xf32>
    %max3A_48 = arith.constant 0.000000e+00 : f32
    %max3A_49 = vector.broadcast %max3A_48 : f32 to vector<2000x128xf32>
    %max3A_50 = arith.maximumf %add3A_47, %max3A_49 : vector<2000x128xf32>
    %swap3A = arith.constant 0 : index
    %swap3A_51 = arith.constant 0 : index
    %swap3A_52 = vector.load %arg10[%swap3A, %swap3A_51] : memref<2000x128xf32, #tpu.memory_space<vmem>>, vector<2000x128xf32>
    tpu.vector_store %arg10[%swap3A, %swap3A_51], %max3A_50 {strides = array<i32>} : memref<2000x128xf32, #tpu.memory_space<vmem>>, vector<2000x128xf32>,
    return
  }
  func.func @transform_0(%arg0: i32, %arg1: i32) -> (i32, i32) {
    %c0_i32 = arith.constant 0 : i32
    %c0_i32_0 = arith.constant 0 : i32
    %c0_i32_1 = arith.constant 0 : i32
    return %c0_i32, %c0_i32_0 : i32, i32
  }
  func.func @transform_1(%arg0: i32, %arg1: i32) -> (i32, i32) {
    %c0_i32 = arith.constant 0 : i32
    %c0_i32_0 = arith.constant 0 : i32
    return %arg1, %c0_i32 : i32, i32
  }
  func.func @transform_2(%arg0: i32, %arg1: i32) -> (i32, i32, i32) {
    %c0_i32 = arith.constant 0 : i32
    %c0_i32_0 = arith.constant 0 : i32
    %c0_i32_1 = arith.constant 0 : i32
    return %c0_i32, %arg1, %c0_i32_0 : i32, i32, i32
  }
  func.func @transform_3(%arg0: i32, %arg1: i32) -> (i32, i32, i32) {
    %c1_i32 = arith.constant 1 : i32
    %c0_i32 = arith.constant 0 : i32
    %c0_i32_0 = arith.constant 0 : i32
    return %c1_i32, %arg1, %c0_i32 : i32, i32, i32
  }
  func.func @transform_4(%arg0: i32, %arg1: i32) -> (i32, i32, i32) {
    %c0_i32 = arith.constant 0 : i32
    %c0_i32_0 = arith.constant 0 : i32
    %c0_i32_1 = arith.constant 0 : i32
    return %arg0, %c0_i32, %c0_i32_0 : i32, i32, i32
  }
  func.func @transform_5(%arg0: i32, %arg1: i32) -> (i32, i32, i32) {
    %c0_i32 = arith.constant 0 : i32
    %c0_i32_0 = arith.constant 0 : i32
    %c0_i32_1 = arith.constant 0 : i32
    return %arg0, %c0_i32, %c0_i32_0 : i32, i32, i32
  }
  func.func @transform_6(%arg0: i32, %arg1: i32) -> (i32, i32, i32) {
    %c0_i32 = arith.constant 0 : i32
    %c0_i32_0 = arith.constant 0 : i32
    %c0_i32_1 = arith.constant 0 : i32
    return %arg0, %c0_i32, %c0_i32_0 : i32, i32, i32
  }
  func.func @transform_7(%arg0: i32, %arg1: i32) -> (i32, i32, i32) {
    %c0_i32 = arith.constant 0 : i32
    %c0_i32_0 = arith.constant 0 : i32
    %c0_i32_1 = arith.constant 0 : i32
    return %arg0, %c0_i32, %c0_i32_0 : i32, i32, i32
  }
  func.func @transform_8(%arg0: i32, %arg1: i32) -> (i32, i32) {
    %mul3A = arith.constant 5 : i32
    %mul3A_0 = arith.muli %arg0, %mul3A : i32
    %add3A = arith.addi %mul3A_0, %arg1 : i32
    %c0_i32 = arith.constant 0 : i32
    %c0_i32_1 = arith.constant 0 : i32
    return %add3A, %c0_i32 : i32, i32
  }
}

module attributes {stable_mosaic.version = 14 : i64} {
  func.func @body(%arg0: i32, %arg1: i32, %arg2: memref<2x1xf32, #tpu.memory_space<smem>>, %arg3: memref<2000x128xf32, #tpu.memory_space<vmem>>, %arg4: memref<1x2000x128xf32, #tpu.memory_space<vmem>>, %arg5: memref<1x128x256xf32, #tpu.memory_space<vmem>>, %arg6: memref<1x1x256xf32, #tpu.memory_space<vmem>>, %arg7: memref<1x256x128xf32, #tpu.memory_space<vmem>>, %arg8: memref<1x1x128xf32, #tpu.memory_space<vmem>>, %arg9: memref<128x256xf32, #tpu.memory_space<vmem>>, %arg10: memref<1x256xf32, #tpu.memory_space<vmem>>, %arg11: memref<2000x128xf32, #tpu.memory_space<vmem>>, %arg12: memref<2000x256xf32, #tpu.memory_space<vmem>>, %arg13: memref<8x256xf32, #tpu.memory_space<vmem>>) attributes {dimension_semantics = [#tpu.dimension_semantics<arbitrary>, #tpu.dimension_semantics<arbitrary>], iteration_bounds = array<i64: 2, 5>, scalar_prefetch = 0 : i64, scratch_operands = 0 : i64, tpu.core_type = #tpu.core_type<tc>, window_params = [{transform_indices = @transform_0, window_bounds = array<i64: 2, 1>}, {transform_indices = @transform_1, window_bounds = array<i64: 2000, 128>}, {transform_indices = @transform_2, window_bounds = array<i64: 1, 2000, 128>}, {transform_indices = @transform_3, window_bounds = array<i64: 1, 128, 256>}, {transform_indices = @transform_4, window_bounds = array<i64: 1, 1, 256>}, {transform_indices = @transform_5, window_bounds = array<i64: 1, 256, 128>}, {transform_indices = @transform_6, window_bounds = array<i64: 1, 1, 128>}, {pipeline_mode = #tpu.pipeline_mode<synchronous>, transform_indices = @transform_7, window_bounds = array<i64: 128, 256>}, {pipeline_mode = #tpu.pipeline_mode<synchronous>, transform_indices = @transform_8, window_bounds = array<i64: 1, 256>}, {transform_indices = @transform_9, window_bounds = array<i64: 2000, 128>}, {transform_indices = @transform_10, window_bounds = array<i64: 2000, 256>}, {pipeline_mode = #tpu.pipeline_mode<synchronous>, transform_indices = @transform_11, window_bounds = array<i64: 8, 256>}]} {
    %get3A = arith.constant 0 : index
    %get3A_0 = arith.constant 0 : index
    %get3A_1 = arith.constant 0 : index
    %get3A_2 = vector.load %arg4[%get3A, %get3A_0, %get3A_1] : memref<1x2000x128xf32, #tpu.memory_space<vmem>>, vector<1x2000x128xf32>
    %get3A_3 = vector.shape_cast %get3A_2 : vector<1x2000x128xf32> to vector<2000x128xf32>
    %get3A_4 = arith.constant 0 : index
    %get3A_5 = arith.constant 0 : index
    %get3A_6 = memref.load %arg2[%get3A_4, %get3A_5] : memref<2x1xf32, #tpu.memory_space<smem>>
    %add3A = arith.constant 1.000000e+00 : f32
    %add3A_7 = arith.addf %add3A, %get3A_6 : f32
    %get3A_8 = arith.constant 0 : index
    %get3A_9 = arith.constant 0 : index
    %get3A_10 = vector.load %arg3[%get3A_8, %get3A_9] : memref<2000x128xf32, #tpu.memory_space<vmem>>, vector<2000x128xf32>
    %mul3A = vector.broadcast %add3A_7 : f32 to vector<2000x128xf32>
    %mul3A_11 = arith.mulf %mul3A, %get3A_10 : vector<2000x128xf32>
    %add3A_12 = arith.addf %mul3A_11, %get3A_3 : vector<2000x128xf32>
    %get3A_13 = arith.constant 0 : index
    %get3A_14 = arith.constant 0 : index
    %get3A_15 = arith.constant 0 : index
    %get3A_16 = vector.load %arg5[%get3A_13, %get3A_14, %get3A_15] : memref<1x128x256xf32, #tpu.memory_space<vmem>>, vector<1x128x256xf32>
    %get3A_17 = vector.shape_cast %get3A_16 : vector<1x128x256xf32> to vector<128x256xf32>
    %dot_general3A = arith.constant dense<0.000000e+00> : vector<2000x256xf32>
    %dot_general3A_18 = tpu.matmul %add3A_12, %get3A_17, %dot_general3A {dimension_numbers = #tpu.dot_dimension_numbers<[1], [0], [0], [1], [0, 0, 1, 1], [], []>, transpose_lhs_hint = false} : vector<2000x128xf32>, vector<128x256xf32>, vector<2000x256xf32> -> vector<2000x256xf32>
    %get3A_19 = arith.constant 0 : index
    %get3A_20 = arith.constant 0 : index
    %get3A_21 = arith.constant 0 : index
    %get3A_22 = vector.load %arg6[%get3A_19, %get3A_20, %get3A_21] : memref<1x1x256xf32, #tpu.memory_space<vmem>>, vector<1x1x256xf32>
    %get3A_23 = vector.shape_cast %get3A_22 : vector<1x1x256xf32> to vector<1x256xf32>
    %add3A_24 = vector.broadcast %get3A_23 : vector<1x256xf32> to vector<2000x256xf32>
    %add3A_25 = arith.addf %dot_general3A_18, %add3A_24 : vector<2000x256xf32>
    %max3A = arith.constant 0.000000e+00 : f32
    %max3A_26 = vector.broadcast %max3A : f32 to vector<2000x256xf32>
    %max3A_27 = arith.maximumf %add3A_25, %max3A_26 : vector<2000x256xf32>
    %get3A_28 = arith.constant 0 : index
    %get3A_29 = arith.constant 0 : index
    %get3A_30 = arith.constant 0 : index
    %get3A_31 = vector.load %arg7[%get3A_28, %get3A_29, %get3A_30] : memref<1x256x128xf32, #tpu.memory_space<vmem>>, vector<1x256x128xf32>
    %get3A_32 = vector.shape_cast %get3A_31 : vector<1x256x128xf32> to vector<256x128xf32>
    %dot_general3A_33 = arith.constant dense<0.000000e+00> : vector<2000x128xf32>
    %dot_general3A_34 = tpu.matmul %max3A_27, %get3A_32, %dot_general3A_33 {dimension_numbers = #tpu.dot_dimension_numbers<[1], [0], [0], [1], [0, 0, 1, 1], [], []>, transpose_lhs_hint = false} : vector<2000x256xf32>, vector<256x128xf32>, vector<2000x128xf32> -> vector<2000x128xf32>
    %get3A_35 = arith.constant 0 : index
    %get3A_36 = arith.constant 0 : index
    %get3A_37 = arith.constant 0 : index
    %get3A_38 = vector.load %arg8[%get3A_35, %get3A_36, %get3A_37] : memref<1x1x128xf32, #tpu.memory_space<vmem>>, vector<1x1x128xf32>
    %get3A_39 = vector.shape_cast %get3A_38 : vector<1x1x128xf32> to vector<1x128xf32>
    %add3A_40 = vector.broadcast %get3A_39 : vector<1x128xf32> to vector<2000x128xf32>
    %add3A_41 = arith.addf %dot_general3A_34, %add3A_40 : vector<2000x128xf32>
    %max3A_42 = arith.constant 0.000000e+00 : f32
    %max3A_43 = vector.broadcast %max3A_42 : f32 to vector<2000x128xf32>
    %max3A_44 = arith.maximumf %add3A_41, %max3A_43 : vector<2000x128xf32>
    %swap3A = arith.constant 0 : index
    %swap3A_45 = arith.constant 0 : index
    %swap3A_46 = vector.load %arg11[%swap3A, %swap3A_45] : memref<2000x128xf32, #tpu.memory_space<vmem>>, vector<2000x128xf32>
    tpu.vector_store %arg11[%swap3A, %swap3A_45], %max3A_44 {strides = array<i32>} : memref<2000x128xf32, #tpu.memory_space<vmem>>, vector<2000x128xf32>,
    %eq3A = arith.constant 0 : i32
    %eq3A_47 = arith.cmpi eq, %arg0, %eq3A : i32
    %eq3A_48 = arith.constant 0 : i32
    %eq3A_49 = arith.cmpi eq, %arg1, %eq3A_48 : i32
    %and3A = arith.andi %eq3A_47, %eq3A_49 : i1
    %convert_element_type3A = arith.extui %and3A : i1 to i32
    %cond3A = arith.constant 0 : i32
    %cond3A_50 = arith.cmpi ne, %convert_element_type3A, %cond3A : i32
    scf.if %cond3A_50 {
      %broadcast_in_dim3A = arith.constant 0.000000e+00 : f32
      %broadcast_in_dim3A_56 = vector.broadcast %broadcast_in_dim3A : f32 to vector<8x256xf32>
      %swap3A_57 = arith.constant 0 : index
      %swap3A_58 = arith.constant 0 : index
      %swap3A_59 = vector.load %arg13[%swap3A_57, %swap3A_58] : memref<8x256xf32, #tpu.memory_space<vmem>>, vector<8x256xf32>
      tpu.vector_store %arg13[%swap3A_57, %swap3A_58], %broadcast_in_dim3A_56 {strides = array<i32>} : memref<8x256xf32, #tpu.memory_space<vmem>>, vector<8x256xf32>,
    } else {
    }
    %eq3A_51 = arith.constant 0 : i32
    %eq3A_52 = arith.cmpi eq, %arg0, %eq3A_51 : i32
    %convert_element_type3A_53 = arith.extui %eq3A_52 : i1 to i32
    %cond3A_54 = arith.constant 0 : i32
    %cond3A_55 = arith.cmpi ne, %convert_element_type3A_53, %cond3A_54 : i32
    scf.if %cond3A_55 {
      %get3A_56 = arith.constant 0 : index
      %get3A_57 = arith.constant 0 : index
      %get3A_58 = vector.load %arg9[%get3A_56, %get3A_57] : memref<128x256xf32, #tpu.memory_space<vmem>>, vector<128x256xf32>
      %dot_general3A_59 = arith.constant dense<0.000000e+00> : vector<2000x256xf32>
      %dot_general3A_60 = tpu.matmul %max3A_44, %get3A_58, %dot_general3A_59 {dimension_numbers = #tpu.dot_dimension_numbers<[1], [0], [0], [1], [0, 0, 1, 1], [], []>, transpose_lhs_hint = false} : vector<2000x128xf32>, vector<128x256xf32>, vector<2000x256xf32> -> vector<2000x256xf32>
      %get3A_61 = arith.constant 0 : index
      %get3A_62 = arith.constant 0 : index
      %get3A_63 = vector.load %arg10[%get3A_61, %get3A_62] : memref<1x256xf32, #tpu.memory_space<vmem>>, vector<1x256xf32>
      %add3A_64 = vector.broadcast %get3A_63 : vector<1x256xf32> to vector<2000x256xf32>
      %add3A_65 = arith.addf %dot_general3A_60, %add3A_64 : vector<2000x256xf32>
      %swap3A_66 = arith.constant 0 : index
      %swap3A_67 = arith.constant 0 : index
      %swap3A_68 = vector.load %arg12[%swap3A_66, %swap3A_67] : memref<2000x256xf32, #tpu.memory_space<vmem>>, vector<2000x256xf32>
      tpu.vector_store %arg12[%swap3A_66, %swap3A_67], %add3A_65 {strides = array<i32>} : memref<2000x256xf32, #tpu.memory_space<vmem>>, vector<2000x256xf32>,
      %get3A_69 = arith.constant 0 : index
      %get3A_70 = arith.constant 0 : index
      %get3A_71 = vector.load %arg13[%get3A_69, %get3A_70] : memref<8x256xf32, #tpu.memory_space<vmem>>, vector<1x256xf32>
      %reduce_sum3A = arith.constant dense<0.000000e+00> : vector<256xf32>
      %reduce_sum3A_72 = vector.multi_reduction <add>, %add3A_65, %reduce_sum3A [0] : vector<2000x256xf32> to vector<256xf32>
      %broadcast_in_dim3A = vector.shape_cast %reduce_sum3A_72 : vector<256xf32> to vector<1x256xf32>
      %add3A_73 = arith.addf %get3A_71, %broadcast_in_dim3A : vector<1x256xf32>
      %swap3A_74 = arith.constant 0 : index
      %swap3A_75 = arith.constant 0 : index
      %swap3A_76 = vector.load %arg13[%swap3A_74, %swap3A_75] : memref<8x256xf32, #tpu.memory_space<vmem>>, vector<1x256xf32>
      tpu.vector_store %arg13[%swap3A_74, %swap3A_75], %add3A_73 {strides = array<i32>} : memref<8x256xf32, #tpu.memory_space<vmem>>, vector<1x256xf32>,
      %get3A_77 = arith.constant 1 : index
      %get3A_78 = arith.constant 0 : index
      %get3A_79 = vector.load %arg13[%get3A_77, %get3A_78] : memref<8x256xf32, #tpu.memory_space<vmem>>, vector<1x256xf32>
      %mul3A_80 = arith.mulf %add3A_65, %add3A_65 : vector<2000x256xf32>
      %reduce_sum3A_81 = arith.constant dense<0.000000e+00> : vector<256xf32>
      %reduce_sum3A_82 = vector.multi_reduction <add>, %mul3A_80, %reduce_sum3A_81 [0] : vector<2000x256xf32> to vector<256xf32>
      %broadcast_in_dim3A_83 = vector.shape_cast %reduce_sum3A_82 : vector<256xf32> to vector<1x256xf32>
      %add3A_84 = arith.addf %get3A_79, %broadcast_in_dim3A_83 : vector<1x256xf32>
      %swap3A_85 = arith.constant 1 : index
      %swap3A_86 = arith.constant 0 : index
      %swap3A_87 = vector.load %arg13[%swap3A_85, %swap3A_86] : memref<8x256xf32, #tpu.memory_space<vmem>>, vector<1x256xf32>
      tpu.vector_store %arg13[%swap3A_85, %swap3A_86], %add3A_84 {strides = array<i32>} : memref<8x256xf32, #tpu.memory_space<vmem>>, vector<1x256xf32>,
    } else {
    }
    return
  }
  func.func @transform_0(%arg0: i32, %arg1: i32) -> (i32, i32) {
    %c0_i32 = arith.constant 0 : i32
    %c0_i32_0 = arith.constant 0 : i32
    %c0_i32_1 = arith.constant 0 : i32
    return %c0_i32, %c0_i32_0 : i32, i32
  }
  func.func @transform_1(%arg0: i32, %arg1: i32) -> (i32, i32) {
    %mul3A = arith.constant 5 : i32
    %mul3A_0 = arith.muli %arg0, %mul3A : i32
    %add3A = arith.addi %mul3A_0, %arg1 : i32
    %c0_i32 = arith.constant 0 : i32
    %c0_i32_1 = arith.constant 0 : i32
    return %add3A, %c0_i32 : i32, i32
  }
  func.func @transform_2(%arg0: i32, %arg1: i32) -> (i32, i32, i32) {
    %c0_i32 = arith.constant 0 : i32
    %c0_i32_0 = arith.constant 0 : i32
    return %arg0, %arg1, %c0_i32 : i32, i32, i32
  }
  func.func @transform_3(%arg0: i32, %arg1: i32) -> (i32, i32, i32) {
    %c0_i32 = arith.constant 0 : i32
    %c0_i32_0 = arith.constant 0 : i32
    %c0_i32_1 = arith.constant 0 : i32
    return %arg0, %c0_i32, %c0_i32_0 : i32, i32, i32
  }
  func.func @transform_4(%arg0: i32, %arg1: i32) -> (i32, i32, i32) {
    %c0_i32 = arith.constant 0 : i32
    %c0_i32_0 = arith.constant 0 : i32
    %c0_i32_1 = arith.constant 0 : i32
    return %arg0, %c0_i32, %c0_i32_0 : i32, i32, i32
  }
  func.func @transform_5(%arg0: i32, %arg1: i32) -> (i32, i32, i32) {
    %c0_i32 = arith.constant 0 : i32
    %c0_i32_0 = arith.constant 0 : i32
    %c0_i32_1 = arith.constant 0 : i32
    return %arg0, %c0_i32, %c0_i32_0 : i32, i32, i32
  }
  func.func @transform_6(%arg0: i32, %arg1: i32) -> (i32, i32, i32) {
    %c0_i32 = arith.constant 0 : i32
    %c0_i32_0 = arith.constant 0 : i32
    %c0_i32_1 = arith.constant 0 : i32
    return %arg0, %c0_i32, %c0_i32_0 : i32, i32, i32
  }
  func.func @transform_7(%arg0: i32, %arg1: i32) -> (i32, i32) {
    %c0_i32 = arith.constant 0 : i32
    %c0_i32_0 = arith.constant 0 : i32
    %c0_i32_1 = arith.constant 0 : i32
    return %c0_i32, %c0_i32_0 : i32, i32
  }
  func.func @transform_8(%arg0: i32, %arg1: i32) -> (i32, i32) {
    %c0_i32 = arith.constant 0 : i32
    %c0_i32_0 = arith.constant 0 : i32
    %c0_i32_1 = arith.constant 0 : i32
    return %c0_i32, %c0_i32_0 : i32, i32
  }
  func.func @transform_9(%arg0: i32, %arg1: i32) -> (i32, i32) {
    %mul3A = arith.constant 5 : i32
    %mul3A_0 = arith.muli %arg0, %mul3A : i32
    %add3A = arith.addi %mul3A_0, %arg1 : i32
    %c0_i32 = arith.constant 0 : i32
    %c0_i32_1 = arith.constant 0 : i32
    return %add3A, %c0_i32 : i32, i32
  }
  func.func @transform_10(%arg0: i32, %arg1: i32) -> (i32, i32) {
    %eq3A = arith.constant 0 : i32
    %eq3A_0 = arith.cmpi eq, %arg0, %eq3A : i32
    %jit3A = arith.constant 5 : i32
    %select_n3A = arith.select %eq3A_0, %arg1, %jit3A : i32
    %c0_i32 = arith.constant 0 : i32
    %c0_i32_1 = arith.constant 0 : i32
    return %select_n3A, %c0_i32 : i32, i32
  }
  func.func @transform_11(%arg0: i32, %arg1: i32) -> (i32, i32) {
    %c0_i32 = arith.constant 0 : i32
    %c0_i32_0 = arith.constant 0 : i32
    %c0_i32_1 = arith.constant 0 : i32
    return %c0_i32, %c0_i32_0 : i32, i32
  }
}

module attributes {stable_mosaic.version = 14 : i64} {
  func.func @body(%arg0: i32, %arg1: memref<2000x256xf32, #tpu.memory_space<vmem>>, %arg2: memref<8x256xf32, #tpu.memory_space<vmem>>, %arg3: memref<1x256xf32, #tpu.memory_space<vmem>>, %arg4: memref<1x256xf32, #tpu.memory_space<vmem>>, %arg5: memref<256x128xf32, #tpu.memory_space<vmem>>, %arg6: memref<1x128xf32, #tpu.memory_space<vmem>>, %arg7: memref<2000x128xf32, #tpu.memory_space<vmem>>, %arg8: memref<512x128xf32, #tpu.memory_space<vmem>>, %arg9: memref<2000x1xi32, #tpu.memory_space<vmem>>, %arg10: memref<128x10xf32, #tpu.memory_space<vmem>>, %arg11: memref<1x10xf32, #tpu.memory_space<vmem>>, %arg12: memref<128x128xf32, #tpu.memory_space<vmem>>, %arg13: memref<128x128xf32, #tpu.memory_space<vmem>>, %arg14: memref<128x8xf32, #tpu.memory_space<vmem>>, %arg15: memref<1x128xf32, #tpu.memory_space<vmem>>, %arg16: memref<128x10xf32, #tpu.memory_space<vmem>>, %arg17: memref<128x128xf32, #tpu.memory_space<vmem>>, %arg18: memref<128x128xf32, #tpu.memory_space<vmem>>, %arg19: memref<1x1xf32, #tpu.memory_space<vmem>>, %arg20: memref<1x1xf32, #tpu.memory_space<vmem>>) attributes {dimension_semantics = [#tpu.dimension_semantics<arbitrary>], iteration_bounds = array<i64: 5>, scalar_prefetch = 0 : i64, scratch_operands = 0 : i64, tpu.core_type = #tpu.core_type<tc>, window_params = [{transform_indices = @transform_0, window_bounds = array<i64: 2000, 256>}, {pipeline_mode = #tpu.pipeline_mode<synchronous>, transform_indices = @transform_1, window_bounds = array<i64: 8, 256>}, {pipeline_mode = #tpu.pipeline_mode<synchronous>, transform_indices = @transform_2, window_bounds = array<i64: 1, 256>}, {pipeline_mode = #tpu.pipeline_mode<synchronous>, transform_indices = @transform_3, window_bounds = array<i64: 1, 256>}, {pipeline_mode = #tpu.pipeline_mode<synchronous>, transform_indices = @transform_4, window_bounds = array<i64: 256, 128>}, {pipeline_mode = #tpu.pipeline_mode<synchronous>, transform_indices = @transform_5, window_bounds = array<i64: 1, 128>}, {transform_indices = @transform_6, window_bounds = array<i64: 2000, 128>}, {pipeline_mode = #tpu.pipeline_mode<synchronous>, transform_indices = @transform_7, window_bounds = array<i64: 512, 128>}, {transform_indices = @transform_8, window_bounds = array<i64: 2000, 1>}, {pipeline_mode = #tpu.pipeline_mode<synchronous>, transform_indices = @transform_9, window_bounds = array<i64: 128, 10>}, {pipeline_mode = #tpu.pipeline_mode<synchronous>, transform_indices = @transform_10, window_bounds = array<i64: 1, 10>}, {pipeline_mode = #tpu.pipeline_mode<synchronous>, transform_indices = @transform_11, window_bounds = array<i64: 128, 128>}, {pipeline_mode = #tpu.pipeline_mode<synchronous>, transform_indices = @transform_12, window_bounds = array<i64: 128, 128>}, {pipeline_mode = #tpu.pipeline_mode<synchronous>, transform_indices = @transform_13, window_bounds = array<i64: 128, 8>}, {pipeline_mode = #tpu.pipeline_mode<synchronous>, transform_indices = @transform_14, window_bounds = array<i64: 1, 128>}, {pipeline_mode = #tpu.pipeline_mode<synchronous>, transform_indices = @transform_15, window_bounds = array<i64: 128, 10>}, {pipeline_mode = #tpu.pipeline_mode<synchronous>, transform_indices = @transform_16, window_bounds = array<i64: 128, 128>}, {pipeline_mode = #tpu.pipeline_mode<synchronous>, transform_indices = @transform_17, window_bounds = array<i64: 128, 128>}, {pipeline_mode = #tpu.pipeline_mode<synchronous>, transform_indices = @transform_18, window_bounds = array<i64: 1, 1>}, {pipeline_mode = #tpu.pipeline_mode<synchronous>, transform_indices = @transform_19, window_bounds = array<i64: 1, 1>}]} {
    %eq3A = arith.constant 0 : i32
    %eq3A_0 = arith.cmpi eq, %arg0, %eq3A : i32
    %convert_element_type3A = arith.extui %eq3A_0 : i1 to i32
    %cond3A = arith.constant 0 : i32
    %cond3A_1 = arith.cmpi ne, %convert_element_type3A, %cond3A : i32
    scf.if %cond3A_1 {
      %broadcast_in_dim3A_150 = arith.constant 0.000000e+00 : f32
      %broadcast_in_dim3A_151 = vector.broadcast %broadcast_in_dim3A_150 : f32 to vector<128x128xf32>
      %swap3A_152 = arith.constant 0 : index
      %swap3A_153 = arith.constant 0 : index
      %swap3A_154 = vector.load %arg12[%swap3A_152, %swap3A_153] : memref<128x128xf32, #tpu.memory_space<vmem>>, vector<128x128xf32>
      tpu.vector_store %arg12[%swap3A_152, %swap3A_153], %broadcast_in_dim3A_151 {strides = array<i32>} : memref<128x128xf32, #tpu.memory_space<vmem>>, vector<128x128xf32>,
      %broadcast_in_dim3A_155 = arith.constant 0.000000e+00 : f32
      %broadcast_in_dim3A_156 = vector.broadcast %broadcast_in_dim3A_155 : f32 to vector<128x128xf32>
      %swap3A_157 = arith.constant 0 : index
      %swap3A_158 = arith.constant 0 : index
      %swap3A_159 = vector.load %arg13[%swap3A_157, %swap3A_158] : memref<128x128xf32, #tpu.memory_space<vmem>>, vector<128x128xf32>
      tpu.vector_store %arg13[%swap3A_157, %swap3A_158], %broadcast_in_dim3A_156 {strides = array<i32>} : memref<128x128xf32, #tpu.memory_space<vmem>>, vector<128x128xf32>,
      %broadcast_in_dim3A_160 = arith.constant 0.000000e+00 : f32
      %broadcast_in_dim3A_161 = vector.broadcast %broadcast_in_dim3A_160 : f32 to vector<128x8xf32>
      %swap3A_162 = arith.constant 0 : index
      %swap3A_163 = arith.constant 0 : index
      %swap3A_164 = vector.load %arg14[%swap3A_162, %swap3A_163] : memref<128x8xf32, #tpu.memory_space<vmem>>, vector<128x8xf32>
      tpu.vector_store %arg14[%swap3A_162, %swap3A_163], %broadcast_in_dim3A_161 {strides = array<i32>} : memref<128x8xf32, #tpu.memory_space<vmem>>, vector<128x8xf32>,
      %broadcast_in_dim3A_165 = arith.constant 0.000000e+00 : f32
      %broadcast_in_dim3A_166 = vector.broadcast %broadcast_in_dim3A_165 : f32 to vector<1x128xf32>
      %swap3A_167 = arith.constant 0 : index
      %swap3A_168 = arith.constant 0 : index
      %swap3A_169 = vector.load %arg15[%swap3A_167, %swap3A_168] : memref<1x128xf32, #tpu.memory_space<vmem>>, vector<1x128xf32>
      tpu.vector_store %arg15[%swap3A_167, %swap3A_168], %broadcast_in_dim3A_166 {strides = array<i32>} : memref<1x128xf32, #tpu.memory_space<vmem>>, vector<1x128xf32>,
    } else {
    }
    %get3A = arith.constant 0 : index
    %get3A_2 = arith.constant 0 : index
    %get3A_3 = vector.load %arg2[%get3A, %get3A_2] : memref<8x256xf32, #tpu.memory_space<vmem>>, vector<1x256xf32>
    %mul3A = arith.constant 9.99999974E-5 : f32
    %mul3A_4 = vector.broadcast %mul3A : f32 to vector<1x256xf32>
    %mul3A_5 = arith.mulf %get3A_3, %mul3A_4 : vector<1x256xf32>
    %get3A_6 = arith.constant 1 : index
    %get3A_7 = arith.constant 0 : index
    %get3A_8 = vector.load %arg2[%get3A_6, %get3A_7] : memref<8x256xf32, #tpu.memory_space<vmem>>, vector<1x256xf32>
    %mul3A_9 = arith.constant 9.99999974E-5 : f32
    %mul3A_10 = vector.broadcast %mul3A_9 : f32 to vector<1x256xf32>
    %mul3A_11 = arith.mulf %get3A_8, %mul3A_10 : vector<1x256xf32>
    %mul3A_12 = arith.mulf %mul3A_5, %mul3A_5 : vector<1x256xf32>
    %sub3A = arith.subf %mul3A_11, %mul3A_12 : vector<1x256xf32>
    %get3A_13 = arith.constant 0 : index
    %get3A_14 = arith.constant 0 : index
    %get3A_15 = vector.load %arg1[%get3A_13, %get3A_14] : memref<2000x256xf32, #tpu.memory_space<vmem>>, vector<2000x256xf32>
    %sub3A_16 = vector.broadcast %mul3A_5 : vector<1x256xf32> to vector<2000x256xf32>
    %sub3A_17 = arith.subf %get3A_15, %sub3A_16 : vector<2000x256xf32>
    %add3A = arith.constant 9.99999974E-6 : f32
    %add3A_18 = vector.broadcast %add3A : f32 to vector<1x256xf32>
    %add3A_19 = arith.addf %sub3A, %add3A_18 : vector<1x256xf32>
    %rsqrt3A = math.rsqrt %add3A_19 : vector<1x256xf32>
    %mul3A_20 = vector.broadcast %rsqrt3A : vector<1x256xf32> to vector<2000x256xf32>
    %mul3A_21 = arith.mulf %sub3A_17, %mul3A_20 : vector<2000x256xf32>
    %get3A_22 = arith.constant 0 : index
    %get3A_23 = arith.constant 0 : index
    %get3A_24 = vector.load %arg3[%get3A_22, %get3A_23] : memref<1x256xf32, #tpu.memory_space<vmem>>, vector<1x256xf32>
    %mul3A_25 = vector.broadcast %get3A_24 : vector<1x256xf32> to vector<2000x256xf32>
    %mul3A_26 = arith.mulf %mul3A_21, %mul3A_25 : vector<2000x256xf32>
    %get3A_27 = arith.constant 0 : index
    %get3A_28 = arith.constant 0 : index
    %get3A_29 = vector.load %arg4[%get3A_27, %get3A_28] : memref<1x256xf32, #tpu.memory_space<vmem>>, vector<1x256xf32>
    %add3A_30 = vector.broadcast %get3A_29 : vector<1x256xf32> to vector<2000x256xf32>
    %add3A_31 = arith.addf %mul3A_26, %add3A_30 : vector<2000x256xf32>
    %max3A = arith.constant 0.000000e+00 : f32
    %max3A_32 = vector.broadcast %max3A : f32 to vector<2000x256xf32>
    %max3A_33 = arith.maximumf %add3A_31, %max3A_32 : vector<2000x256xf32>
    %get3A_34 = arith.constant 0 : index
    %get3A_35 = arith.constant 0 : index
    %get3A_36 = vector.load %arg5[%get3A_34, %get3A_35] : memref<256x128xf32, #tpu.memory_space<vmem>>, vector<256x128xf32>
    %dot_general3A = arith.constant dense<0.000000e+00> : vector<2000x128xf32>
    %dot_general3A_37 = tpu.matmul %max3A_33, %get3A_36, %dot_general3A {dimension_numbers = #tpu.dot_dimension_numbers<[1], [0], [0], [1], [0, 0, 1, 1], [], []>, transpose_lhs_hint = false} : vector<2000x256xf32>, vector<256x128xf32>, vector<2000x128xf32> -> vector<2000x128xf32>
    %get3A_38 = arith.constant 0 : index
    %get3A_39 = arith.constant 0 : index
    %get3A_40 = vector.load %arg6[%get3A_38, %get3A_39] : memref<1x128xf32, #tpu.memory_space<vmem>>, vector<1x128xf32>
    %add3A_41 = vector.broadcast %get3A_40 : vector<1x128xf32> to vector<2000x128xf32>
    %add3A_42 = arith.addf %dot_general3A_37, %add3A_41 : vector<2000x128xf32>
    %logistic3A = arith.negf %add3A_42 : vector<2000x128xf32>
    %logistic3A_43 = math.exp %logistic3A : vector<2000x128xf32>
    %logistic3A_44 = arith.constant 1.000000e+00 : f32
    %logistic3A_45 = vector.broadcast %logistic3A_44 : f32 to vector<2000x128xf32>
    %logistic3A_46 = arith.addf %logistic3A_45, %logistic3A_43 : vector<2000x128xf32>
    %logistic3A_47 = arith.divf %logistic3A_45, %logistic3A_46 : vector<2000x128xf32>
    %reduce_sum3A = arith.constant dense<0.000000e+00> : vector<2000xf32>
    %reduce_sum3A_48 = vector.multi_reduction <add>, %logistic3A_47, %reduce_sum3A [1] : vector<2000x128xf32> to vector<2000xf32>
    %broadcast_in_dim3A = vector.shape_cast %reduce_sum3A_48 : vector<2000xf32> to vector<2000x1xf32>
    %div3A = arith.constant 1.280000e+02 : f32
    %div3A_49 = vector.broadcast %div3A : f32 to vector<2000x1xf32>
    %div3A_50 = arith.divf %broadcast_in_dim3A, %div3A_49 : vector<2000x1xf32>
    %get3A_51 = arith.constant 0 : index
    %get3A_52 = arith.constant 0 : index
    %get3A_53 = vector.load %arg7[%get3A_51, %get3A_52] : memref<2000x128xf32, #tpu.memory_space<vmem>>, vector<2000x128xf32>
    %get3A_54 = arith.constant 0 : index
    %get3A_55 = arith.constant 0 : index
    %get3A_56 = vector.load %arg8[%get3A_54, %get3A_55] : memref<512x128xf32, #tpu.memory_space<vmem>>, vector<512x128xf32>
    %broadcast_in_dim3A_57 = arith.constant 1.000000e+00 : f32
    %broadcast_in_dim3A_58 = vector.broadcast %broadcast_in_dim3A_57 : f32 to vector<1x128xf32>
    %mul3A_59 = arith.mulf %get3A_56, %get3A_56 : vector<512x128xf32>
    %dot_general3A_60 = arith.constant dense<0.000000e+00> : vector<1x512xf32>
    %dot_general3A_61 = tpu.matmul %broadcast_in_dim3A_58, %mul3A_59, %dot_general3A_60 {dimension_numbers = #tpu.dot_dimension_numbers<[1], [1], [0], [0], [0, 0, 1, 0], [], []>, precision = #tpu.contract_precision<fp32>, transpose_lhs_hint = false} : vector<1x128xf32>, vector<512x128xf32>, vector<1x512xf32> -> vector<1x512xf32>
    %dot_general3A_62 = arith.constant dense<0.000000e+00> : vector<2000x512xf32>
    %dot_general3A_63 = tpu.matmul %get3A_53, %get3A_56, %dot_general3A_62 {dimension_numbers = #tpu.dot_dimension_numbers<[1], [1], [0], [0], [0, 0, 1, 0], [], []>, transpose_lhs_hint = false} : vector<2000x128xf32>, vector<512x128xf32>, vector<2000x512xf32> -> vector<2000x512xf32>
    %mul3A_64 = arith.constant 2.000000e+00 : f32
    %mul3A_65 = vector.broadcast %mul3A_64 : f32 to vector<2000x512xf32>
    %mul3A_66 = arith.mulf %mul3A_65, %dot_general3A_63 : vector<2000x512xf32>
    %sub3A_67 = vector.broadcast %dot_general3A_61 : vector<1x512xf32> to vector<2000x512xf32>
    %sub3A_68 = arith.subf %sub3A_67, %mul3A_66 : vector<2000x512xf32>
    %reduce_min3A = arith.constant dense<0x7F800000> : vector<2000xf32>
    %reduce_min3A_69 = vector.multi_reduction <minimumf>, %sub3A_68, %reduce_min3A [1] : vector<2000x512xf32> to vector<2000xf32>
    %broadcast_in_dim3A_70 = vector.shape_cast %reduce_min3A_69 : vector<2000xf32> to vector<2000x1xf32>
    %iota3A = tpu.iota {dimensions = array<i32: 1>} : vector<2000x512xi32>
    %eq3A_71 = vector.broadcast %broadcast_in_dim3A_70 : vector<2000x1xf32> to vector<2000x512xf32>
    %eq3A_72 = arith.cmpf oeq, %sub3A_68, %eq3A_71 : vector<2000x512xf32>
    %jit3A = arith.constant 512 : i32
    %broadcast_in_dim3A_73 = vector.broadcast %jit3A : i32 to vector<2000x512xi32>
    %select_n3A = arith.select %eq3A_72, %iota3A, %broadcast_in_dim3A_73 : vector<2000x512xi1>, vector<2000x512xi32>
    %reduce_min3A_74 = arith.constant dense<2147483647> : vector<2000xi32>
    %reduce_min3A_75 = vector.multi_reduction <minsi>, %select_n3A, %reduce_min3A_74 [1] : vector<2000x512xi32> to vector<2000xi32>
    %broadcast_in_dim3A_76 = vector.shape_cast %reduce_min3A_75 : vector<2000xi32> to vector<2000x1xi32>
    %eq3A_77 = vector.broadcast %broadcast_in_dim3A_76 : vector<2000x1xi32> to vector<2000x512xi32>
    %eq3A_78 = arith.cmpi eq, %iota3A, %eq3A_77 : vector<2000x512xi32>
    %convert_element_type3A_79 = arith.extui %eq3A_78 : vector<2000x512xi1> to vector<2000x512xi32>
    %convert_element_type3A_80 = arith.sitofp %convert_element_type3A_79 : vector<2000x512xi32> to vector<2000x512xf32>
    %dot_general3A_81 = arith.constant dense<0.000000e+00> : vector<2000x128xf32>
    %dot_general3A_82 = tpu.matmul %convert_element_type3A_80, %get3A_56, %dot_general3A_81 {dimension_numbers = #tpu.dot_dimension_numbers<[1], [0], [0], [1], [0, 0, 1, 1], [], []>, transpose_lhs_hint = false} : vector<2000x512xf32>, vector<512x128xf32>, vector<2000x128xf32> -> vector<2000x128xf32>
    %sub3A_83 = arith.subf %get3A_53, %dot_general3A_82 : vector<2000x128xf32>
    %add3A_84 = arith.addf %get3A_53, %dot_general3A_82 : vector<2000x128xf32>
    %mul3A_85 = arith.mulf %add3A_84, %logistic3A_47 : vector<2000x128xf32>
    %sub3A_86 = arith.constant 1.000000e+00 : f32
    %sub3A_87 = vector.broadcast %sub3A_86 : f32 to vector<2000x128xf32>
    %sub3A_88 = arith.subf %sub3A_87, %logistic3A_47 : vector<2000x128xf32>
    %mul3A_89 = arith.mulf %add3A_84, %sub3A_88 : vector<2000x128xf32>
    %iota3A_90 = tpu.iota {dimensions = array<i32: 1>} : vector<2000x128xi32>
    %get3A_91 = arith.constant 0 : index
    %get3A_92 = arith.constant 0 : index
    %get3A_93 = vector.load %arg9[%get3A_91, %get3A_92] : memref<2000x1xi32, #tpu.memory_space<vmem>>, vector<2000x1xi32>
    %eq3A_94 = vector.broadcast %get3A_93 : vector<2000x1xi32> to vector<2000x128xi32>
    %eq3A_95 = arith.cmpi eq, %iota3A_90, %eq3A_94 : vector<2000x128xi32>
    %convert_element_type3A_96 = arith.extui %eq3A_95 : vector<2000x128xi1> to vector<2000x128xi32>
    %convert_element_type3A_97 = arith.sitofp %convert_element_type3A_96 : vector<2000x128xi32> to vector<2000x128xf32>
    %get3A_98 = arith.constant 0 : index
    %get3A_99 = arith.constant 0 : index
    %get3A_100 = vector.load %arg12[%get3A_98, %get3A_99] : memref<128x128xf32, #tpu.memory_space<vmem>>, vector<128x128xf32>
    %dot_general3A_101 = arith.constant dense<0.000000e+00> : vector<128x128xf32>
    %dot_general3A_102 = tpu.matmul %convert_element_type3A_97, %mul3A_85, %dot_general3A_101 {dimension_numbers = #tpu.dot_dimension_numbers<[0], [0], [1], [1], [0, 1, 1, 1], [], []>, transpose_lhs_hint = false} : vector<2000x128xf32>, vector<2000x128xf32>, vector<128x128xf32> -> vector<128x128xf32>
    %add3A_103 = arith.addf %get3A_100, %dot_general3A_102 : vector<128x128xf32>
    %swap3A = arith.constant 0 : index
    %swap3A_104 = arith.constant 0 : index
    %swap3A_105 = vector.load %arg12[%swap3A, %swap3A_104] : memref<128x128xf32, #tpu.memory_space<vmem>>, vector<128x128xf32>
    tpu.vector_store %arg12[%swap3A, %swap3A_104], %add3A_103 {strides = array<i32>} : memref<128x128xf32, #tpu.memory_space<vmem>>, vector<128x128xf32>,
    %get3A_106 = arith.constant 0 : index
    %get3A_107 = arith.constant 0 : index
    %get3A_108 = vector.load %arg13[%get3A_106, %get3A_107] : memref<128x128xf32, #tpu.memory_space<vmem>>, vector<128x128xf32>
    %dot_general3A_109 = arith.constant dense<0.000000e+00> : vector<128x128xf32>
    %dot_general3A_110 = tpu.matmul %convert_element_type3A_97, %mul3A_89, %dot_general3A_109 {dimension_numbers = #tpu.dot_dimension_numbers<[0], [0], [1], [1], [0, 1, 1, 1], [], []>, transpose_lhs_hint = false} : vector<2000x128xf32>, vector<2000x128xf32>, vector<128x128xf32> -> vector<128x128xf32>
    %add3A_111 = arith.addf %get3A_108, %dot_general3A_110 : vector<128x128xf32>
    %swap3A_112 = arith.constant 0 : index
    %swap3A_113 = arith.constant 0 : index
    %swap3A_114 = vector.load %arg13[%swap3A_112, %swap3A_113] : memref<128x128xf32, #tpu.memory_space<vmem>>, vector<128x128xf32>
    tpu.vector_store %arg13[%swap3A_112, %swap3A_113], %add3A_111 {strides = array<i32>} : memref<128x128xf32, #tpu.memory_space<vmem>>, vector<128x128xf32>,
    %convert_element_type3A_115 = arith.truncf %div3A_50 : vector<2000x1xf32> to vector<2000x1xbf16>
    %convert_element_type3A_116 = arith.extf %convert_element_type3A_115 : vector<2000x1xbf16> to vector<2000x1xf32>
    %sub3A_117 = arith.subf %div3A_50, %convert_element_type3A_116 : vector<2000x1xf32>
    %broadcast_in_dim3A_118 = arith.constant 1.000000e+00 : f32
    %broadcast_in_dim3A_119 = vector.broadcast %broadcast_in_dim3A_118 : f32 to vector<2000x1xf32>
    %broadcast_in_dim3A_120 = arith.constant 0.000000e+00 : f32
    %broadcast_in_dim3A_121 = vector.broadcast %broadcast_in_dim3A_120 : f32 to vector<2000x5xf32>
    %concatenate3A = tpu.concatenate %convert_element_type3A_116, %sub3A_117, %broadcast_in_dim3A_119, %broadcast_in_dim3A_121 in 1 : vector<2000x1xf32>, vector<2000x1xf32>, vector<2000x1xf32>, vector<2000x5xf32> -> vector<2000x8xf32>
    %get3A_122 = arith.constant 0 : index
    %get3A_123 = arith.constant 0 : index
    %get3A_124 = vector.load %arg14[%get3A_122, %get3A_123] : memref<128x8xf32, #tpu.memory_space<vmem>>, vector<128x8xf32>
    %dot_general3A_125 = arith.constant dense<0.000000e+00> : vector<128x8xf32>
    %dot_general3A_126 = tpu.matmul %convert_element_type3A_97, %concatenate3A, %dot_general3A_125 {dimension_numbers = #tpu.dot_dimension_numbers<[0], [0], [1], [1], [0, 1, 1, 1], [], []>, transpose_lhs_hint = false} : vector<2000x128xf32>, vector<2000x8xf32>, vector<128x8xf32> -> vector<128x8xf32>
    %add3A_127 = arith.addf %get3A_124, %dot_general3A_126 : vector<128x8xf32>
    %swap3A_128 = arith.constant 0 : index
    %swap3A_129 = arith.constant 0 : index
    %swap3A_130 = vector.load %arg14[%swap3A_128, %swap3A_129] : memref<128x8xf32, #tpu.memory_space<vmem>>, vector<128x8xf32>
    tpu.vector_store %arg14[%swap3A_128, %swap3A_129], %add3A_127 {strides = array<i32>} : memref<128x8xf32, #tpu.memory_space<vmem>>, vector<128x8xf32>,
    %get3A_131 = arith.constant 0 : index
    %get3A_132 = arith.constant 0 : index
    %get3A_133 = vector.load %arg15[%get3A_131, %get3A_132] : memref<1x128xf32, #tpu.memory_space<vmem>>, vector<1x128xf32>
    %mul3A_134 = arith.mulf %sub3A_83, %sub3A_83 : vector<2000x128xf32>
    %reduce_sum3A_135 = vector.shape_cast %mul3A_134 : vector<2000x128xf32> to vector<1x2000x128xf32>
    %reduce_sum3A_136 = arith.constant dense<0.000000e+00> : vector<1xf32>
    %reduce_sum3A_137 = vector.multi_reduction <add>, %reduce_sum3A_135, %reduce_sum3A_136 [1, 2] : vector<1x2000x128xf32> to vector<1xf32>
    %reduce_sum3A_138 = vector.shape_cast %reduce_sum3A_137 : vector<1xf32> to vector<1x1x1xf32>
    %reduce_sum3A_139 = vector.extract %reduce_sum3A_138[0, 0, 0] : f32 from vector<1x1x1xf32>
    %broadcast_in_dim3A_140 = vector.broadcast %reduce_sum3A_139 : f32 to vector<1x128xf32>
    %add3A_141 = arith.addf %get3A_133, %broadcast_in_dim3A_140 : vector<1x128xf32>
    %swap3A_142 = arith.constant 0 : index
    %swap3A_143 = arith.constant 0 : index
    %swap3A_144 = vector.load %arg15[%swap3A_142, %swap3A_143] : memref<1x128xf32, #tpu.memory_space<vmem>>, vector<1x128xf32>
    tpu.vector_store %arg15[%swap3A_142, %swap3A_143], %add3A_141 {strides = array<i32>} : memref<1x128xf32, #tpu.memory_space<vmem>>, vector<1x128xf32>,
    %eq3A_145 = arith.constant 4 : i32
    %eq3A_146 = arith.cmpi eq, %arg0, %eq3A_145 : i32
    %convert_element_type3A_147 = arith.extui %eq3A_146 : i1 to i32
    %cond3A_148 = arith.constant 0 : i32
    %cond3A_149 = arith.cmpi ne, %convert_element_type3A_147, %cond3A_148 : i32
    scf.if %cond3A_149 {
      %get3A_150 = arith.constant 0 : index
      %get3A_151 = arith.constant 0 : index
      %get3A_152 = vector.load %arg14[%get3A_150, %get3A_151] : memref<128x8xf32, #tpu.memory_space<vmem>>, vector<128x1xf32>
      %get3A_153 = arith.constant 0 : index
      %get3A_154 = arith.constant 1 : index
      %get3A_155 = vector.load %arg14[%get3A_153, %get3A_154] : memref<128x8xf32, #tpu.memory_space<vmem>>, vector<128x1xf32>
      %add3A_156 = arith.addf %get3A_152, %get3A_155 : vector<128x1xf32>
      %add3A_157 = arith.constant 9.99999993E-9 : f32
      %add3A_158 = vector.broadcast %add3A_157 : f32 to vector<128x1xf32>
      %add3A_159 = arith.addf %add3A_156, %add3A_158 : vector<128x1xf32>
      %get3A_160 = arith.constant 0 : index
      %get3A_161 = arith.constant 2 : index
      %get3A_162 = vector.load %arg14[%get3A_160, %get3A_161] : memref<128x8xf32, #tpu.memory_space<vmem>>, vector<128x1xf32>
      %sub3A_163 = arith.subf %get3A_162, %add3A_156 : vector<128x1xf32>
      %add3A_164 = arith.constant 9.99999993E-9 : f32
      %add3A_165 = vector.broadcast %add3A_164 : f32 to vector<128x1xf32>
      %add3A_166 = arith.addf %sub3A_163, %add3A_165 : vector<128x1xf32>
      %get3A_167 = arith.constant 0 : index
      %get3A_168 = arith.constant 2 : index
      %get3A_169 = vector.load %arg14[%get3A_167, %get3A_168] : memref<128x8xf32, #tpu.memory_space<vmem>>, vector<128x1xf32>
      %max3A_170 = arith.constant 1.000000e+00 : f32
      %max3A_171 = vector.broadcast %max3A_170 : f32 to vector<128x1xf32>
      %max3A_172 = arith.maximumf %get3A_169, %max3A_171 : vector<128x1xf32>
      %div3A_173 = arith.constant 1.000000e+00 : f32
      %div3A_174 = vector.broadcast %div3A_173 : f32 to vector<128x1xf32>
      %div3A_175 = arith.divf %div3A_174, %max3A_172 : vector<128x1xf32>
      %get3A_176 = arith.constant 0 : index
      %get3A_177 = arith.constant 0 : index
      %get3A_178 = vector.load %arg12[%get3A_176, %get3A_177] : memref<128x128xf32, #tpu.memory_space<vmem>>, vector<128x128xf32>
      %mul3A_179 = vector.broadcast %div3A_175 : vector<128x1xf32> to vector<128x128xf32>
      %mul3A_180 = arith.mulf %get3A_178, %mul3A_179 : vector<128x128xf32>
      %get3A_181 = arith.constant 0 : index
      %get3A_182 = arith.constant 0 : index
      %get3A_183 = vector.load %arg13[%get3A_181, %get3A_182] : memref<128x128xf32, #tpu.memory_space<vmem>>, vector<128x128xf32>
      %mul3A_184 = vector.broadcast %div3A_175 : vector<128x1xf32> to vector<128x128xf32>
      %mul3A_185 = arith.mulf %get3A_183, %mul3A_184 : vector<128x128xf32>
      %swap3A_186 = arith.constant 0 : index
      %swap3A_187 = arith.constant 0 : index
      %swap3A_188 = vector.load %arg17[%swap3A_186, %swap3A_187] : memref<128x128xf32, #tpu.memory_space<vmem>>, vector<128x128xf32>
      tpu.vector_store %arg17[%swap3A_186, %swap3A_187], %mul3A_180 {strides = array<i32>} : memref<128x128xf32, #tpu.memory_space<vmem>>, vector<128x128xf32>,
      %swap3A_189 = arith.constant 0 : index
      %swap3A_190 = arith.constant 0 : index
      %swap3A_191 = vector.load %arg18[%swap3A_189, %swap3A_190] : memref<128x128xf32, #tpu.memory_space<vmem>>, vector<128x128xf32>
      tpu.vector_store %arg18[%swap3A_189, %swap3A_190], %mul3A_185 {strides = array<i32>} : memref<128x128xf32, #tpu.memory_space<vmem>>, vector<128x128xf32>,
      %get3A_192 = arith.constant 0 : index
      %get3A_193 = arith.constant 0 : index
      %get3A_194 = vector.load %arg10[%get3A_192, %get3A_193] : memref<128x10xf32, #tpu.memory_space<vmem>>, vector<128x10xf32>
      %dot_general3A_195 = arith.constant dense<0.000000e+00> : vector<128x10xf32>
      %dot_general3A_196 = tpu.matmul %mul3A_180, %get3A_194, %dot_general3A_195 {dimension_numbers = #tpu.dot_dimension_numbers<[1], [0], [0], [1], [0, 0, 1, 1], [], []>, transpose_lhs_hint = false} : vector<128x128xf32>, vector<128x10xf32>, vector<128x10xf32> -> vector<128x10xf32>
      %get3A_197 = arith.constant 0 : index
      %get3A_198 = arith.constant 0 : index
      %get3A_199 = vector.load %arg11[%get3A_197, %get3A_198] : memref<1x10xf32, #tpu.memory_space<vmem>>, vector<1x10xf32>
      %add3A_200 = vector.broadcast %get3A_199 : vector<1x10xf32> to vector<128x10xf32>
      %add3A_201 = arith.addf %dot_general3A_196, %add3A_200 : vector<128x10xf32>
      %swap3A_202 = arith.constant 0 : index
      %swap3A_203 = arith.constant 0 : index
      %swap3A_204 = vector.load %arg16[%swap3A_202, %swap3A_203] : memref<128x10xf32, #tpu.memory_space<vmem>>, vector<128x10xf32>
      tpu.vector_store %arg16[%swap3A_202, %swap3A_203], %add3A_201 {strides = array<i32>} : memref<128x10xf32, #tpu.memory_space<vmem>>, vector<128x10xf32>,
      %add3A_205 = arith.addf %add3A_159, %add3A_166 : vector<128x1xf32>
      %div3A_206 = arith.divf %add3A_159, %add3A_205 : vector<128x1xf32>
      %sub3A_207 = arith.constant 5.000000e-01 : f32
      %sub3A_208 = vector.broadcast %sub3A_207 : f32 to vector<128x1xf32>
      %sub3A_209 = arith.subf %div3A_206, %sub3A_208 : vector<128x1xf32>
      %abs3A = math.absf %sub3A_209 : vector<128x1xf32>
      %reduce_sum3A_210 = vector.shape_cast %abs3A : vector<128x1xf32> to vector<1x128x1xf32>
      %reduce_sum3A_211 = arith.constant dense<0.000000e+00> : vector<1xf32>
      %reduce_sum3A_212 = vector.multi_reduction <add>, %reduce_sum3A_210, %reduce_sum3A_211 [1, 2] : vector<1x128x1xf32> to vector<1xf32>
      %reduce_sum3A_213 = vector.shape_cast %reduce_sum3A_212 : vector<1xf32> to vector<1x1x1xf32>
      %reduce_sum3A_214 = vector.extract %reduce_sum3A_213[0, 0, 0] : f32 from vector<1x1x1xf32>
      %div3A_215 = arith.constant 1.280000e+02 : f32
      %div3A_216 = arith.divf %reduce_sum3A_214, %div3A_215 : f32
      %broadcast_in_dim3A_217 = vector.broadcast %div3A_216 : f32 to vector<1x1xf32>
      %swap3A_218 = arith.constant 0 : index
      %swap3A_219 = arith.constant 0 : index
      %swap3A_220 = vector.load %arg20[%swap3A_218, %swap3A_219] : memref<1x1xf32, #tpu.memory_space<vmem>>, vector<1x1xf32>
      tpu.vector_store %arg20[%swap3A_218, %swap3A_219], %broadcast_in_dim3A_217 {strides = array<i32>} : memref<1x1xf32, #tpu.memory_space<vmem>>, vector<1x1xf32>,
      %get3A_221 = arith.constant 0 : index
      %get3A_222 = arith.constant 0 : index
      %get3A_223 = vector.load %arg15[%get3A_221, %get3A_222] : memref<1x128xf32, #tpu.memory_space<vmem>>, vector<1x1xf32>
      %mul3A_224 = arith.constant 1.95312495E-7 : f32
      %mul3A_225 = vector.broadcast %mul3A_224 : f32 to vector<1x1xf32>
      %mul3A_226 = arith.mulf %get3A_223, %mul3A_225 : vector<1x1xf32>
      %swap3A_227 = arith.constant 0 : index
      %swap3A_228 = arith.constant 0 : index
      %swap3A_229 = vector.load %arg19[%swap3A_227, %swap3A_228] : memref<1x1xf32, #tpu.memory_space<vmem>>, vector<1x1xf32>
      tpu.vector_store %arg19[%swap3A_227, %swap3A_228], %mul3A_226 {strides = array<i32>} : memref<1x1xf32, #tpu.memory_space<vmem>>, vector<1x1xf32>,
    } else {
    }
    return
  }
  func.func @transform_0(%arg0: i32) -> (i32, i32) {
    %c0_i32 = arith.constant 0 : i32
    %c0_i32_0 = arith.constant 0 : i32
    return %arg0, %c0_i32 : i32, i32
  }
  func.func @transform_1(%arg0: i32) -> (i32, i32) {
    %c0_i32 = arith.constant 0 : i32
    %c0_i32_0 = arith.constant 0 : i32
    %c0_i32_1 = arith.constant 0 : i32
    return %c0_i32, %c0_i32_0 : i32, i32
  }
  func.func @transform_2(%arg0: i32) -> (i32, i32) {
    %c0_i32 = arith.constant 0 : i32
    %c0_i32_0 = arith.constant 0 : i32
    %c0_i32_1 = arith.constant 0 : i32
    return %c0_i32, %c0_i32_0 : i32, i32
  }
  func.func @transform_3(%arg0: i32) -> (i32, i32) {
    %c0_i32 = arith.constant 0 : i32
    %c0_i32_0 = arith.constant 0 : i32
    %c0_i32_1 = arith.constant 0 : i32
    return %c0_i32, %c0_i32_0 : i32, i32
  }
  func.func @transform_4(%arg0: i32) -> (i32, i32) {
    %c0_i32 = arith.constant 0 : i32
    %c0_i32_0 = arith.constant 0 : i32
    %c0_i32_1 = arith.constant 0 : i32
    return %c0_i32, %c0_i32_0 : i32, i32
  }
  func.func @transform_5(%arg0: i32) -> (i32, i32) {
    %c0_i32 = arith.constant 0 : i32
    %c0_i32_0 = arith.constant 0 : i32
    %c0_i32_1 = arith.constant 0 : i32
    return %c0_i32, %c0_i32_0 : i32, i32
  }
  func.func @transform_6(%arg0: i32) -> (i32, i32) {
    %add3A = arith.constant 5 : i32
    %add3A_0 = arith.addi %add3A, %arg0 : i32
    %c0_i32 = arith.constant 0 : i32
    %c0_i32_1 = arith.constant 0 : i32
    return %add3A_0, %c0_i32 : i32, i32
  }
  func.func @transform_7(%arg0: i32) -> (i32, i32) {
    %c0_i32 = arith.constant 0 : i32
    %c0_i32_0 = arith.constant 0 : i32
    %c0_i32_1 = arith.constant 0 : i32
    return %c0_i32, %c0_i32_0 : i32, i32
  }
  func.func @transform_8(%arg0: i32) -> (i32, i32) {
    %c0_i32 = arith.constant 0 : i32
    %c0_i32_0 = arith.constant 0 : i32
    return %arg0, %c0_i32 : i32, i32
  }
  func.func @transform_9(%arg0: i32) -> (i32, i32) {
    %c0_i32 = arith.constant 0 : i32
    %c0_i32_0 = arith.constant 0 : i32
    %c0_i32_1 = arith.constant 0 : i32
    return %c0_i32, %c0_i32_0 : i32, i32
  }
  func.func @transform_10(%arg0: i32) -> (i32, i32) {
    %c0_i32 = arith.constant 0 : i32
    %c0_i32_0 = arith.constant 0 : i32
    %c0_i32_1 = arith.constant 0 : i32
    return %c0_i32, %c0_i32_0 : i32, i32
  }
  func.func @transform_11(%arg0: i32) -> (i32, i32) {
    %c0_i32 = arith.constant 0 : i32
    %c0_i32_0 = arith.constant 0 : i32
    %c0_i32_1 = arith.constant 0 : i32
    return %c0_i32, %c0_i32_0 : i32, i32
  }
  func.func @transform_12(%arg0: i32) -> (i32, i32) {
    %c0_i32 = arith.constant 0 : i32
    %c0_i32_0 = arith.constant 0 : i32
    %c0_i32_1 = arith.constant 0 : i32
    return %c0_i32, %c0_i32_0 : i32, i32
  }
  func.func @transform_13(%arg0: i32) -> (i32, i32) {
    %c0_i32 = arith.constant 0 : i32
    %c0_i32_0 = arith.constant 0 : i32
    %c0_i32_1 = arith.constant 0 : i32
    return %c0_i32, %c0_i32_0 : i32, i32
  }
  func.func @transform_14(%arg0: i32) -> (i32, i32) {
    %c0_i32 = arith.constant 0 : i32
    %c0_i32_0 = arith.constant 0 : i32
    %c0_i32_1 = arith.constant 0 : i32
    return %c0_i32, %c0_i32_0 : i32, i32
  }
  func.func @transform_15(%arg0: i32) -> (i32, i32) {
    %c0_i32 = arith.constant 0 : i32
    %c0_i32_0 = arith.constant 0 : i32
    %c0_i32_1 = arith.constant 0 : i32
    return %c0_i32, %c0_i32_0 : i32, i32
  }
  func.func @transform_16(%arg0: i32) -> (i32, i32) {
    %c0_i32 = arith.constant 0 : i32
    %c0_i32_0 = arith.constant 0 : i32
    %c0_i32_1 = arith.constant 0 : i32
    return %c0_i32, %c0_i32_0 : i32, i32
  }
  func.func @transform_17(%arg0: i32) -> (i32, i32) {
    %c0_i32 = arith.constant 0 : i32
    %c0_i32_0 = arith.constant 0 : i32
    %c0_i32_1 = arith.constant 0 : i32
    return %c0_i32, %c0_i32_0 : i32, i32
  }
  func.func @transform_18(%arg0: i32) -> (i32, i32) {
    %c0_i32 = arith.constant 0 : i32
    %c0_i32_0 = arith.constant 0 : i32
    %c0_i32_1 = arith.constant 0 : i32
    return %c0_i32, %c0_i32_0 : i32, i32
  }
  func.func @transform_19(%arg0: i32) -> (i32, i32) {
    %c0_i32 = arith.constant 0 : i32
    %c0_i32_0 = arith.constant 0 : i32
    %c0_i32_1 = arith.constant 0 : i32
    return %c0_i32, %c0_i32_0 : i32, i32
  }
}

</mosaic_0001>

<sc_bundles>
// kernel: kernel.10.cloned.1.call-start
scs
__scs_entry_jumppad:
0x0: {  	(pc) =	sbr.rel $0x88, $3  }
0x1: {  	(tag) =	ssettag $0x0;
	lr =	simm.s32 $0x1  }
0x2: {  	[smem:$0x3F81] =	sst lr;
	_ =	strace $0xD0000000  }
0x3: {  	_ = 	snop  }
0x4: {  	_ = 	snop  }
0x5: {  	_ = 	snop  }
0x6: {  	_ = 	snop  }
0x7: {  	_ = 	snop  }
__scs_overlays_trampoline_lowered:
0x8: {  	[smem:$0x3F90] =	sst s0  }
0x9: {  	[smem:$0x3F91] =	sst s1  }
0xa: {  	[smem:$0x3F92] =	sst s2  }
0xb: {  	[smem:$0x3F93] =	sst s3  }
0xc: {  	[smem:$0x3F94] =	sst s4  }
0xd: {  	[smem:$0x3F95] =	sst s5  }
0xe: {  	[smem:$0x3F96] =	sst s6  }
0xf: {  	[smem:$0x3F97] =	sst s7  }
0x10: {  	[smem:$0x3F98] =	sst s8  }
0x11: {  	[smem:$0x3F99] =	sst s9;
	s0 =	simm.s32 @!p0 $0x0  }
0x12: {  	s1 =	sld [smem:$0x3F7F];
	s0 =	simm.s32 @p0 $0x1  }
0x13: {  	[smem:$0x3F9A] =	sst s0;
	s0 =	simm.s32 @!p1 $0x0  }
0x14: {  	s2 =	sld [smem:$0x3F7E];
	s0 =	simm.s32 @p1 $0x1  }
0x15: {  	[smem:$0x3F9B] =	sst s0;
	s0 =	simm.s32 @!p2 $0x0  }
0x16: {  	s3 =	sld [smem:$0x3FDB];
	s0 =	simm.s32 @p2 $0x1  }
0x17: {  	s4 =	simm.s32 $0x1BF5;
	[smem:$0x3F9D] =	sst s0  }
0x18: {  	s0 =	sld [smem:$0x3F80];
	_ =	swait.ge [sflag:s4], $0x0  }
0x19: {  	s7 =	sld [smem:$0x3F81]  }
0x1a: {  	s8 =	sadd.s32 $0xFFFFE003, lr  }
0x1b: {  	s9 =	sadd.s32 $0xFFFFFEF7, lr;
	s5 =	simm.s32 $0xFFFFFFFF;
	p2 =	slt.u32 s8, $0xFFFFF086  }
0x1c: {  	p1 =	slt.u32 s9, $0xF7A;
	s5 =	simm.s32 @!p2 $0x0  }
0x1d: {  	s5 =	simm.s32 @p1 $0x1;
	p0 =	seq.s32 s7, s2  }
0x1e: {  	s7 =	smul.u32 @!p0 $0xF7A, s2;
	p2 =	seq.s32 @!p0 s5, $0x0  }
0x1f: {  	s9 =	smul.u32 $0xF7A, s1;
	s8 =	simm.s32 @!p0 $0x1BF5;
	p2 =	por !p2, p0  }
0x20: {  	[sflag:s8] =	ssyncset.s32 @!p0 $0xFFFFF086;
	s6 =	sadd.s32 @!p0 s3, s7;
	s7 =	simm.s32 @!p0 $0x108  }
0x21: {  	s3 =	sadd.s32 s3, s9;
	s6 =	sadd.s32 @!p0 $0x88, s6;
	s7 =	simm.s32 @p2 $0x1082  }
0x22: {  	[simem:s7], [sflag:s8] =	dma.local @!p0 [hbm:s6], $0xF7A  }
0x23: {  	s9 =	sor.u32 $0xD0000000, s2;
	s6 =	simm.s32 $0x108;
	_ =	swait.ge @!p0 [sflag:s8], $0x0  }
0x24: {  	s3 =	sadd.s32 $0x88, s3;
	s6 =	simm.s32 @!p1 $0x1082;
	[sflag:s4] =	ssyncset.s32 $0xFFFFF086  }
0x25: {  	[simem:s6], [sflag:s4] =	dma.local [hbm:s3], $0xF7A  }
0x26: {  	[smem:$0x3F81] =	sst s1;
	(tag) =	ssettag s2;
	_ =	strace s9  }
0x27: {  	s1 =	sld [smem:$0x3F91]  }
0x28: {  	s2 =	sld [smem:$0x3F92]  }
0x29: {  	s4 =	sld [smem:$0x3F94]  }
0x2a: {  	p0 =	seq.s32 s5, $0x0;
	s5 =	sld [smem:$0x3F95]  }
0x2b: {  	s6 =	sld [smem:$0x3F96]  }
0x2c: {  	s7 =	sld [smem:$0x3F97]  }
0x2d: {  	s3 =	simm.s32 $0x108;
	s8 =	sld [smem:$0x3F98]  }
0x2e: {  	s3 =	simm.s32 @!p0 $0x1082;
	s9 =	sld [smem:$0x3F99]  }
0x2f: {  	lr =	sadd.s32 s0, s3;
	s0 =	sld [smem:$0x3F90]  }
0x30: {  	s3 =	sld [smem:$0x3F93]  }
0x31: {  	[smem:$0x3F9C] =	sst s10  }
0x32: {  	s10 =	sld [smem:$0x3F9A];
	_ =	sdelay $0x3  }
0x33: {  	p0 =	seq.s32 s10, $0x1;
	s10 =	sld [smem:$0x3F9C];
	_ =	sdelay $0x3  }
0x34: {  	[smem:$0x3F9C] =	sst s10  }
0x35: {  	s10 =	sld [smem:$0x3F9B];
	_ =	sdelay $0x3  }
0x36: {  	p1 =	seq.s32 s10, $0x1;
	s10 =	sld [smem:$0x3F9C];
	_ =	sdelay $0x3  }
0x37: {  	[smem:$0x3F9C] =	sst s10  }
0x38: {  	s10 =	sld [smem:$0x3F9D]  }
0x39: {  	_ = 	snop;
	(pc) =	sbr.ind lr, $3  }
0x3a: {  	_ = 	snop  }
0x3b: {  	_ = 	snop  }
0x3c: {  	p2 =	seq.s32 s10, $0x1;
	s10 =	sld [smem:$0x3F9C]  }
0x3d: {  	_ =	shalt  }
0x3e: {  	_ =	shalt  }
0x3f: {  	_ =	shalt  }
0x40: {  	_ =	shalt  }
0x41: {  	_ =	shalt  }
0x42: {  	_ =	shalt  }
0x43: {  	_ =	shalt  }
0x44: {  	_ =	shalt  }
0x45: {  	_ =	shalt  }
0x46: {  	_ =	shalt  }
0x47: {  	_ =	shalt  }
0x48: {  	_ =	shalt  }
0x49: {  	_ =	shalt  }
0x4a: {  	_ =	shalt  }
0x4b: {  	_ =	shalt  }
0x4c: {  	_ =	shalt  }
0x4d: {  	_ =	shalt  }
0x4e: {  	_ =	shalt  }
0x4f: {  	_ =	shalt  }
0x50: {  	_ =	shalt  }
0x51: {  	_ =	shalt  }
0x52: {  	_ =	shalt  }
0x53: {  	_ =	shalt  }
0x54: {  	_ =	shalt  }
0x55: {  	_ =	shalt  }
0x56: {  	_ =	shalt  }
0x57: {  	_ =	shalt  }
0x58: {  	_ =	shalt  }
0x59: {  	_ =	shalt  }
0x5a: {  	_ =	shalt  }
0x5b: {  	_ =	shalt  }
0x5c: {  	_ =	shalt  }
0x5d: {  	_ =	shalt  }
0x5e: {  	_ =	shalt  }
0x5f: {  	_ =	shalt  }
0x60: {  	_ =	shalt  }
0x61: {  	_ =	shalt  }
0x62: {  	_ =	shalt  }
0x63: {  	_ =	shalt  }
0x64: {  	_ =	shalt  }
0x65: {  	_ =	shalt  }
0x66: {  	_ =	shalt  }
0x67: {  	_ =	shalt  }
0x68: {  	_ =	shalt  }
0x69: {  	_ =	shalt  }
0x6a: {  	_ =	shalt  }
0x6b: {  	_ =	shalt  }
0x6c: {  	_ =	shalt  }
0x6d: {  	_ =	shalt  }
0x6e: {  	_ =	shalt  }
0x6f: {  	_ =	shalt  }
0x70: {  	_ =	shalt  }
0x71: {  	_ =	shalt  }
0x72: {  	_ =	shalt  }
0x73: {  	_ =	shalt  }
0x74: {  	_ =	shalt  }
0x75: {  	_ =	shalt  }
0x76: {  	_ =	shalt  }
0x77: {  	_ =	shalt  }
0x78: {  	_ =	shalt  }
0x79: {  	_ =	shalt  }
0x7a: {  	_ =	shalt  }
0x7b: {  	_ =	shalt  }
0x7c: {  	_ =	shalt  }
0x7d: {  	_ =	shalt  }
0x7e: {  	_ =	shalt  }
0x7f: {  	_ =	shalt  }
0x80: {  	_ =	shalt  }
0x81: {  	_ =	shalt  }
0x82: {  	_ =	shalt  }
0x83: {  	_ =	shalt  }
0x84: {  	_ =	shalt  }
0x85: {  	_ =	shalt  }
0x86: {  	_ =	shalt  }
0x87: {  	_ =	shalt  }
.Lfunc_end0:
.L_simem_size_0:
called_computation.1_lowered:
.L_overlay_start_0:
0x88: {  	s2 =	sld [smem:$0x3FD9]  }
0x89: {  	s3 =	sld [smem:$0x3FFE];
	_ =	sdelay $0x1  }
0x8a: {  	s1 =	srdreg.scid  }
0x8b: {  	s0 =	sand.u32 $0x1, s1  }
0x8c: {  	s16 =	sshll.u32 s0, $0xA;
	s2 =	sadd.s32 s3, s2  }
0x8d: {  	s2 =	sadd.s32 s2, s16  }
0x8e: {  	[smem:$0x3FA8] =	sst s2  }
0x8f: {  	_ = 	snop  }
0x90: {  	(tm) =	ssettm $0x1  }
0x91: {  	s17 =	sld [smem:$0x3FFB];
	_ =	sdelay $0x3  }
0x92: {  	_ =	strace s17  }
0x93: {  	s2 =	sld [smem:$0x3FFC];
	_ =	sdelay $0x3  }
0x94: {  	_ =	strace s2  }
0x95: {  	s2 =	sld [smem:$0x3FFD];
	_ =	sdelay $0x3  }
0x96: {  	_ =	strace s2  }
0x97: {  	_ =	strace $0x8FFFFFFF  }
0x98: {  	s18 =	sld [smem:$0x3FDB];
	_ =	sdelay $0x1  }
0x99: {  	s19 =	simm.s32 $_scs_section_size  }
0x9a: {  	s4 =	simm.s32 $_size__tile_overlayer_lowered;
	s5 =	simm.s32 $_tile_overlayer_lowered  }
0x9b: {  	s22 =	simm.s32 $0x1BFF;
	s21 =	sshll.u32 s5, $0x1;
	s2 =	sadd.s32 s19, s18  }
0x9c: {  	s6 =	simm.s32 $0x0;
	s20 =	sshll.u32 s4, $0x1;
	s4 =	sadd.s32 s21, s2  }
0x9d: {  	[timem:s6], [sflag:s22] =	dma.local [hbm:s4], s20  }
0x9e: {  	_ =	swait.ge [sflag:s22], s20  }
0x9f: {  	s3 =	ssub.s32 $0x0, s20;
	[sflag:s22] =	ssyncset.done $0x0  }
0xa0: {  	[sflag:s22] =	ssyncadd.s32 s3;
	_ =	sdelay $0x1  }
0xa1: {  	s23 =	simm.s32 $0x1B8B  }
0xa2: {  	_ =	swait.ge [sflag:s23], $0x1  }
0xa3: {  	[sflag:s23] =	ssyncset.done $0x0  }
0xa4: {  	s25 =	simm.s32 $0x1B8E;
	s24 =	sld [smem:$0x3FFE];
	[sflag:s23] =	ssyncadd.s32 $0xFFFFFFFF  }
0xa5: {  	s26 =	simm.s32 $execute0_lowered;
	[smem:$0x3FD2] =	sst s25  }
0xa6: {  	s4 =	sshll.u32 s26, $0x1;
	_ =	strace $0x80000049;
	[dreg:$0x1] =	wrdreg $0xFFFFFFFF  }
0xa7: {  	s28 =	simm.s32 $_size_execute0_lowered;
	s2 =	sadd.s32 s2, s4;
	[dreg:$0x0] =	wrdreg $0x0  }
0xa8: {  	s4 =	sshll.u32 s28, $0x1;
	[dreg:$0x2] =	wrdreg s2  }
0xa9: {  	[dreg:$0x3] =	wrdreg s4  }
0xaa: {  	[dreg:$0x4] =	wrdreg $0xC0  }
0xab: {  	_ =	task [dreg:s6], $0x5FFFF  }
0xac: {  	[dreg:$0x1] =	wrdreg $0xFFFFFFFF  }
0xad: {  	[dreg:$0x0] =	wrdreg $0x60  }
0xae: {  	[dreg:$0x2] =	wrdreg s24  }
0xaf: {  	[dreg:$0x3] =	wrdreg $0xA8000  }
0xb0: {  	[dreg:$0x4] =	wrdreg $0x9  }
0xb1: {  	_ =	task.clear_ibuf [dreg:s6], $0x5FFFF;
	_ =	strace $0x90000049  }
0xb2: {  	s29 =	simm.s32 $0x9;
	_ =	strace $0x8000004B  }
0xb3: {  	_ =	swait.ge [sflag:s29], $0x1  }
0xb4: {  	[sflag:s29] =	ssyncadd.s32 $0xFFFFFFFF  }
0xb5: {  	_ =	strace $0x9000004B  }
0xb6: {  	_ =	sfence  }
0xb7: {  	s30 =	sld [smem:$0x0];
	_ =	sdelay $0x2  }
0xb8: {  	s31 =	sshll.u32 s1, $0xD;
	s1 =	sshrl.u32 s1, $0x2  }
0xb9: {  	s3 =	sand.u32 $0x4000, s31;
	s1 =	sadd.s32 s1, s30  }
0xba: {  	s0 =	sor.u32 s3, s0;
	s1 =	sshll.u32 s1, $0x11  }
0xbb: {  	s0 =	sor.u32 s1, s0  }
0xbc: {  	s0 =	sadd.s32 $0x8F2B, s0  }
0xbd: {  	[sflag:s0] =	ssyncadd.remote.s32 $0x1  }
0xbe: {  	_ =	sfence.sel $0xFFFF  }
0xbf: {  	[dreg:$0x0] =	wrdreg $0xFFFFFFFF;
	(pc) =	sbr.abs _section_cstart, $3  }
0xc0: {  	[dreg:$0x1] =	wrdreg $0xFFFFFFFF  }
0xc1: {  	_ =	task.clear_ibuf [dreg:s6], $0x2FFFF;
	_ =	strace $0x9FFFFFFF  }
0xc2: {  	(tm) =	ssettm $0x7FFFFFFF  }
0xc3: {  	_ =	shalt  }
tec
execute0_lowered:
.L_overlay_start_1:
0x0: {  	(tag) =	ssettag $0x1  }
0x1: {  	s0 =	rddreg [dreg:$0x0]  }
0x2: {  	s1 =	rddreg [dreg:$0x1]  }
0x3: {  	s2 =	simm.s32 $0x0;
	s3 =	srdreg.scid;
	s11 =	stileid.u32  }
0x4: {  	s18 =	simm.s32 $0x3;
	s19 =	simm.s32 $0x1400;
	s20 =	simm.s32 $0x80  }
0x5: {  	s21 =	simm.s32 $0x6800;
	s22 =	simm.s32 $0x1;
	s28 =	simm.s32 $0x2700  }
0x6: {  	s29 =	simm.s32 $0x2780;
	[smem:$0x7FF] =	sst s2;
	s7 =	smul.u32 $0x4F000, s11  }
0x7: {  	s4 =	sadd.s32 $0x18C00, s0;
	s5 =	sadd.s32 $0x66E00, s0;
	s15 =	smul.u32 $0x13800, s11  }
0x8: {  	s3 =	sand.u32 $0x1, s3;
	s6 =	sadd.s32 $0xEC00, s0;
	s17 =	smul.u32 $0x4E000, s11  }
0x9: {  	s0 =	sadd.s32 $0x7AE00, s0;
	p0 =	seq.s32 s11, $0xF;
	s14 =	smul.u32 $0x138800, s3  }
0xa: {  	_ =	strace $0x8000004A;
	s8 =	ssub.s32 $0x2, s3;
	s13 =	smul.u32 $0x50000, s3  }
0xb: {  	s9 =	sshrl.u32 s8, $0x1;
	s10 =	sshrl.u32 s7, $0x2;
	s7 =	smul.u32 $0xA0, s11  }
0xc: {  	s30 =	sshrl.u32 s17, $0x2;
	s17 =	simm.s32 $0x2800;
	s16 =	ssub.s32 s8, s9  }
0xd: {  	s8 =	sadd.s32 s10, s1;
	s26 =	sadd.s32 s15, s14;
	s14 =	sshrl.u32 s14, $0x3  }
0xe: {  	s23 =	sadd.s32 $0x4000, s8;
	s24 =	sadd.s32 $0x8000, s8;
	s25 =	sadd.s32 $0xC000, s8  }
0xf: {  	s12 =	sadd.s32 $0x10000, s8;
	s3 =	sshrl.u32 s26, $0x3;
	[dreg:$0x3] =	wrdreg s23  }
0x10: {  	s31 =	sadd.s32 s0, s14;
	s16 =	smax.u32 s16, $0x1;
	[dreg:$0x4] =	wrdreg s24  }
0x11: {  	s26 =	simm.s32 $0x1380;
	[dreg:$0x5] =	wrdreg s25;
	s14 =	sadd.s32 s0, s3  }
0x12: {  	s0 =	sadd.s32 s30, s1;
	s15 =	sadd.s32 $0x24900, s31;
	s3 =	sadd.s32 $0x124800, s1  }
0x13: {  	v0 =	vimm.f32 $0.0e+00;
	s23 =	simm.s32 $0x2;
	s24 =	sshrl.u32 @p0 s3, $0x3;
	s25 =	sshrl.u32 @!p0 s0, $0x3  }
.LBB2_1:
0x14: {  	s0 =	simm.s32 $0x0;
	s30 =	simm.s32 $0x200  }
.LBB2_2:
0x15: {  	p1 =	sne.s32 s30, $0xFE00;
	[tilespmem:s0+$0x2870] =	vst v0  }
0x16: {  	[tilespmem:s0+$0x2800] =	vst v0  }
0x17: {  	[tilespmem:s0+$0x2810] =	vst v0  }
.Ltmp0:
0x18: {  	[tilespmem:s0+$0x2820] =	vst v0;
	(pc) =	sbr.rel @p1 .LBB2_2-.Ltmp0, $4  }
0x19: {  	[tilespmem:s0+$0x2830] =	vst v0  }
0x1a: {  	[tilespmem:s0+$0x2840] =	vst v0  }
0x1b: {  	[tilespmem:s0+$0x2850] =	vst v0  }
0x1c: {  	[tilespmem:s0+$0x2860] =	vst v0;
	s0 =	sshra.s32 s30, $0x2;
	s30 =	sadd.s32 $0x200, s30  }
0x1d: {  	[tilespmem:s0+$0x2870] =	vst v0  }
0x1e: {  	[tilespmem:s0+$0x2800] =	vst v0  }
0x1f: {  	[tilespmem:s0+$0x2810] =	vst v0  }
0x20: {  	[tilespmem:s0+$0x2820] =	vst v0  }
0x21: {  	[tilespmem:s0+$0x2830] =	vst v0  }
0x22: {  	[tilespmem:s0+$0x2840] =	vst v0  }
0x23: {  	[tilespmem:s0+$0x2850] =	vst v0  }
0x24: {  	[tilespmem:s0+$0x2860] =	vst v0  }
0x25: {  	[spmem:s8] =	stream.linear.scatter [tilespmem:s17], [sflag:$0x3], $0x4000, $0x38;
	[tilespmem:$0x1E400] =	vst v63  }
0x26: {  	_ =	swait.ge [sflag:s18], $0x4000  }
0x27: {  	[sflag:s18] =	ssyncset.done $0x0  }
0x28: {  	s9 =	rddreg [dreg:$0x3];
	[sflag:s18] =	ssyncadd.s32 $0xFFFFC000  }
0x29: {  	[spmem:s9] =	stream.linear.scatter [tilespmem:s17], [sflag:$0x3], $0x4000, $0x38;
	[tilespmem:$0x1E400] =	vst v63  }
0x2a: {  	_ =	swait.ge [sflag:s18], $0x4000  }
0x2b: {  	[sflag:s18] =	ssyncset.done $0x0  }
0x2c: {  	s10 =	rddreg [dreg:$0x4];
	[sflag:s18] =	ssyncadd.s32 $0xFFFFC000  }
0x2d: {  	[spmem:s10] =	stream.linear.scatter [tilespmem:s17], [sflag:$0x3], $0x4000, $0x38;
	[tilespmem:$0x1E400] =	vst v63  }
0x2e: {  	_ =	swait.ge [sflag:s18], $0x4000  }
0x2f: {  	[sflag:s18] =	ssyncset.done $0x0  }
0x30: {  	s11 =	rddreg [dreg:$0x5];
	[sflag:s18] =	ssyncadd.s32 $0xFFFFC000  }
0x31: {  	[spmem:s11] =	stream.linear.scatter [tilespmem:s17], [sflag:$0x3], $0x4000, $0x38;
	[tilespmem:$0x1E400] =	vst v63  }
0x32: {  	_ =	swait.ge [sflag:s18], $0x4000  }
0x33: {  	[sflag:s18] =	ssyncset.done $0x0  }
0x34: {  	[sflag:s18] =	ssyncadd.s32 $0xFFFFC000  }
0x35: {  	[spmem:s12] =	stream.linear.scatter [tilespmem:s17], [sflag:$0x3], $0x3C00, $0x38;
	[tilespmem:$0x1E400] =	vst v63  }
0x36: {  	_ =	swait.ge [sflag:s18], $0x3C00  }
0x37: {  	[sflag:s18] =	ssyncset.done $0x0  }
0x38: {  	[sflag:s18] =	ssyncadd.s32 $0xFFFFC400  }
0x39: {  	s30 =	simm.s32 $0x0;
	s31 =	simm.s32 $0x0;
	[bflag:$0x0] =	sbarrier.arrive $0xFFFF  }
.LBB2_4:
0x3a: {  	s0 =	smul.u32 $0x28, s31;
	_ =	sdelay $0x1  }
0x3b: {  	s0 =	sadd.s32 s7, s0  }
0x3c: {  	s3 =	sshll.u32 s0, $0x7  }
0x3d: {  	s3 =	sadd.s32 s13, s3  }
0x3e: {  	s3 =	sshrl.u32 s3, $0x3  }
0x3f: {  	s3 =	sadd.s32 s5, s3  }
0x40: {  	[tilespmem:s30], [sflag:$0x3] =	stream.linear.gather [hbm4b:s3+s30], $0x1400, $0x38;
	[tilespmem:$0x1E400] =	vst v63  }
0x41: {  	_ =	swait.ge [sflag:s18], $0x1400  }
0x42: {  	s0 =	sshll.u32 s0, $0x4;
	[sflag:s18] =	ssyncset.done $0x0  }
0x43: {  	s0 =	sadd.s32 s6, s0;
	[sflag:s18] =	ssyncadd.s32 $0xFFFFEC00  }
0x44: {  	[tilespmem:s19], [sflag:$0x3] =	stream.linear.gather [hbm4b:s0+s30], $0x1400, $0x38;
	[tilespmem:$0x1E400] =	vst v63  }
0x45: {  	_ =	swait.ge [sflag:s18], $0x1400  }
0x46: {  	[sflag:s18] =	ssyncset.done $0x0  }
0x47: {  	[sflag:s18] =	ssyncadd.s32 $0xFFFFEC00  }
0x48: {  	[tilespmem:s17], [sflag:$0x1] =	stream.indirect.gather [hbm4b:s4+s20], $0x80, s30, s20, $0xb8;
	[tilespmem:$0x1E400] =	vst v63  }
0x49: {  	s3 =	simm.s32 $0x80  }
0x4a: {  	[tilespmem:s21], [sflag:$0x2] =	stream.indirect.gather [hbm4b:s4+s20], $0x80, s3, s20, $0xb8;
	[tilespmem:$0x1E400] =	vst v63  }
0x4b: {  	_ =	swait.ge [sflag:s22], $0x4000  }
0x4c: {  	[sflag:s22] =	ssyncset.done $0x0  }
0x4d: {  	s9 =	simm.s32 $0x1400;
	[sflag:s22] =	ssyncadd.s32 $0xFFFFC000  }
0x4e: {  	[spmem:s1] =	stream.indirect.scatter.add.f32 [tilespmem:s17], [sflag:$0x3], $0x80, s9, s20, $0xb8;
	[tilespmem:$0x1E400] =	vst v63  }
0x4f: {  	_ =	swait.ge [sflag:s18], $0x4000  }
0x50: {  	[sflag:s18] =	ssyncset.done $0x0  }
0x51: {  	s10 =	simm.s32 $0x100;
	[sflag:s18] =	ssyncadd.s32 $0xFFFFC000  }
0x52: {  	[tilespmem:s17], [sflag:$0x1] =	stream.indirect.gather [hbm4b:s4+s20], $0x80, s10, s20, $0xb8;
	[tilespmem:$0x1E400] =	vst v63  }
0x53: {  	_ =	swait.ge [sflag:s23], $0x4000  }
0x54: {  	[sflag:s23] =	ssyncset.done $0x0  }
0x55: {  	s11 =	simm.s32 $0x1480;
	[sflag:s23] =	ssyncadd.s32 $0xFFFFC000  }
0x56: {  	[spmem:s1] =	stream.indirect.scatter.add.f32 [tilespmem:s21], [sflag:$0x3], $0x80, s11, s20, $0xb8;
	[tilespmem:$0x1E400] =	vst v63  }
0x57: {  	_ =	swait.ge [sflag:s18], $0x4000  }
0x58: {  	s0 =	simm.s32 $0x100;
	s3 =	simm.s32 $0x800;
	[sflag:s18] =	ssyncset.done $0x0  }
.LBB2_5:
0x59: {  	s9 =	sadd.s32 $0x80, s0  }
0x5a: {  	[sflag:s18] =	ssyncadd.s32 $0xFFFFC000;
	s10 =	smov.u32 s3;
	s11 =	sadd.s32 $0x400, s3  }
0x5b: {  	[tilespmem:s21], [sflag:$0x2] =	stream.indirect.gather [hbm4b:s4+s20], $0x80, s9, s20, $0xb8;
	[tilespmem:$0x1E400] =	vst v63  }
0x5c: {  	p1 =	sne.s32 s3, $0x4800;
	_ =	swait.ge [sflag:s22], $0x4000  }
0x5d: {  	[sflag:s22] =	ssyncset.done $0x0  }
0x5e: {  	s3 =	sadd.s32 $0x1400, s0;
	[sflag:s22] =	ssyncadd.s32 $0xFFFFC000  }
0x5f: {  	[spmem:s1] =	stream.indirect.scatter.add.f32 [tilespmem:s17], [sflag:$0x3], $0x80, s3, s20, $0xb8;
	[tilespmem:$0x1E400] =	vst v63  }
0x60: {  	_ =	swait.ge [sflag:s18], $0x4000  }
0x61: {  	[sflag:s18] =	ssyncset.done $0x0  }
0x62: {  	s3 =	sadd.s32 $0x100, s0;
	[sflag:s18] =	ssyncadd.s32 $0xFFFFC000  }
0x63: {  	[tilespmem:s17], [sflag:$0x1] =	stream.indirect.gather [hbm4b:s4+s20], $0x80, s3, s20, $0xb8;
	[tilespmem:$0x1E400] =	vst v63  }
0x64: {  	_ =	swait.ge [sflag:s23], $0x4000  }
.Ltmp1:
0x65: {  	[sflag:s23] =	ssyncset.done $0x0;
	(pc) =	sbr.rel @p1 .LBB2_5-.Ltmp1, $4  }
0x66: {  	s0 =	sadd.s32 $0x1480, s0;
	[sflag:s23] =	ssyncadd.s32 $0xFFFFC000  }
0x67: {  	[spmem:s1] =	stream.indirect.scatter.add.f32 [tilespmem:s21], [sflag:$0x3], $0x80, s0, s20, $0xb8;
	[tilespmem:$0x1E400] =	vst v63  }
0x68: {  	_ =	swait.ge [sflag:s18], $0x4000  }
0x69: {  	s3 =	smov.u32 s11;
	s0 =	sshra.s32 s10, $0x2;
	[sflag:s18] =	ssyncset.done $0x0  }
0x6a: {  	s3 =	sadd.s32 $0x80, s0;
	[sflag:s18] =	ssyncadd.s32 $0xFFFFC000  }
0x6b: {  	[tilespmem:s21], [sflag:$0x2] =	stream.indirect.gather [hbm4b:s4+s20], $0x80, s3, s20, $0xb8;
	[tilespmem:$0x1E400] =	vst v63  }
0x6c: {  	_ =	swait.ge [sflag:s22], $0x4000  }
0x6d: {  	[sflag:s22] =	ssyncset.done $0x0  }
0x6e: {  	s9 =	sadd.s32 $0x1400, s0;
	[sflag:s22] =	ssyncadd.s32 $0xFFFFC000  }
0x6f: {  	[spmem:s1] =	stream.indirect.scatter.add.f32 [tilespmem:s17], [sflag:$0x3], $0x80, s9, s20, $0xb8;
	[tilespmem:$0x1E400] =	vst v63  }
0x70: {  	_ =	swait.ge [sflag:s18], $0x4000  }
0x71: {  	[sflag:s18] =	ssyncset.done $0x0  }
0x72: {  	s10 =	sadd.s32 $0x100, s0;
	[sflag:s18] =	ssyncadd.s32 $0xFFFFC000  }
0x73: {  	[tilespmem:s17], [sflag:$0x1] =	stream.indirect.gather [hbm4b:s4+s20], $0x80, s10, s20, $0xb8;
	[tilespmem:$0x1E400] =	vst v63  }
0x74: {  	_ =	swait.ge [sflag:s23], $0x4000  }
0x75: {  	[sflag:s23] =	ssyncset.done $0x0  }
0x76: {  	s11 =	sadd.s32 $0x1480, s0;
	[sflag:s23] =	ssyncadd.s32 $0xFFFFC000  }
0x77: {  	[spmem:s1] =	stream.indirect.scatter.add.f32 [tilespmem:s21], [sflag:$0x3], $0x80, s11, s20, $0xb8;
	[tilespmem:$0x1E400] =	vst v63  }
0x78: {  	_ =	swait.ge [sflag:s18], $0x4000  }
0x79: {  	[sflag:s18] =	ssyncset.done $0x0  }
0x7a: {  	[sflag:s18] =	ssyncadd.s32 $0xFFFFC000  }
0x7b: {  	[tilespmem:s21], [sflag:$0x2] =	stream.indirect.gather [hbm4b:s4+s20], $0x80, s26, s20, $0xb8;
	[tilespmem:$0x1E400] =	vst v63  }
0x7c: {  	_ =	swait.ge [sflag:s22], $0x4000  }
0x7d: {  	[sflag:s22] =	ssyncset.done $0x0  }
0x7e: {  	[sflag:s22] =	ssyncadd.s32 $0xFFFFC000  }
0x7f: {  	[spmem:s1] =	stream.indirect.scatter.add.f32 [tilespmem:s17], [sflag:$0x3], $0x80, s28, s20, $0xb8;
	[tilespmem:$0x1E400] =	vst v63  }
0x80: {  	_ =	swait.ge [sflag:s18], $0x4000  }
0x81: {  	[sflag:s18] =	ssyncset.done $0x0  }
0x82: {  	[sflag:s18] =	ssyncadd.s32 $0xFFFFC000  }
0x83: {  	s31 =	sadd.s32 $0x1, s31;
	_ =	swait.ge [sflag:s23], $0x4000  }
0x84: {  	p1 =	sne.s32 s31, $0x4;
	[sflag:s23] =	ssyncset.done $0x0  }
.Ltmp2:
0x85: {  	[sflag:s23] =	ssyncadd.s32 $0xFFFFC000;
	(pc) =	sbr.rel @p1 .LBB2_4-.Ltmp2, $4  }
0x86: {  	[spmem:s1] =	stream.indirect.scatter.add.f32 [tilespmem:s21], [sflag:$0x3], $0x80, s29, s20, $0xb8;
	[tilespmem:$0x1E400] =	vst v63  }
0x87: {  	_ =	swait.ge [sflag:s18], $0x4000  }
0x88: {  	[sflag:s18] =	ssyncset.done $0x0  }
0x89: {  	[sflag:s18] =	ssyncadd.s32 $0xFFFFC000  }
0x8a: {  	[bflag:$0x0] =	sbarrier.arrive $0xFFFF;
	s0 =	simm.s32 @p0 $0x1FC3  }
0x8b: {  	[hbm:s15], [sflag:s0] =	dma.local @p0 [spmem:s24], $0x2800  }
0x8c: {  	s0 =	simm.s32 @p0 $0x3  }
0x8d: {  	s3 =	stileid.u32;
	_ =	swait.ge @p0 [sflag:s0], $0x2800  }
0x8e: {  	s2 =	sadd.s32 $0x1, s2;
	s3 =	sshll.u32 @!p0 s3, $0x6;
	[sflag:s0] =	ssyncset.done @p0 $0x0  }
0x8f: {  	p1 =	sne.s32 s2, s16;
	[sflag:s0] =	ssyncadd.s32 @p0 $0xFFFFD800;
	s0 =	sor.u32 @!p0 $0x1C03, s3  }
0x90: {  	[hbm:s14], [sflag:s0] =	dma.local @!p0 [spmem:s25], $0x2700  }
.Ltmp3:
0x91: {  	_ = 	snop;
	(pc) =	sbr.rel @p1 .LBB2_1-.Ltmp3, $4  }
0x92: {  	s0 =	simm.s32 @!p0 $0x3  }
0x93: {  	_ =	swait.ge @!p0 [sflag:s0], $0x2700  }
0x94: {  	[sflag:s0] =	ssyncset.done @!p0 $0x0  }
0x95: {  	[sflag:s0] =	ssyncadd.s32 @!p0 $0xFFFFD900  }
0x96: {  	_ =	sfence.sel $0x180000  }
0x97: {  	[bflag:$0x0] =	sbarrier.arrive $0xFFFF  }
0x98: {  	_ =	strace $0x9000004A  }
0x99: {  	s0 =	stileid.u32;
	[bflag:$0x2] =	sbarrier.arrive $0xFFFF  }
0x9a: {  	p0 =	sne.s32 s0, $0x0;
	s0 =	rddreg [dreg:$0x2]  }
0x9b: {  	s0 =	sadd.s32 @!p0 $0x100000, s0  }
0x9c: {  	[sflag:s0] =	ssyncadd.tile.s32 @!p0 $0x1;
	_ =	shalt  }
.Lfunc_end2:
_tile_overlayer_lowered:
.L_overlay_start_2:
0x9d: {  	(tag) =	ssettag $0x2  }
0x9e: {  	s0 =	rddreg [dreg:$0x0];
	s2 =	stileid.u32  }
0x9f: {  	s1 =	rddreg [dreg:$0x1];
	p0 =	sne.s32 s2, $0x0  }
0xa0: {  	s3 =	rddreg [dreg:$0x2];
	[bflag:$0x3] =	sbarrier.arrive $0xFFFF;
	s2 =	simm.s32 @!p0 $0x1C03  }
0xa1: {  	[timem:s3], [sflag:s2] =	dma.local @!p0 [hbm:s0], s1  }
0xa2: {  	s0 =	simm.s32 @!p0 $0x3  }
0xa3: {  	_ =	swait.ge @!p0 [sflag:s0], s1  }
0xa4: {  	s1 =	ssub.s32 @!p0 $0x0, s1;
	[sflag:s0] =	ssyncset.done @!p0 $0x0  }
0xa5: {  	[sflag:s0] =	ssyncadd.s32 @!p0 s1  }
0xa6: {  	[bflag:$0x3] =	sbarrier.arrive $0xFFFF  }
0xa7: {  	_ =	shalt  }

// kernel: kernel.7.cloned.1.call-start
scs
__scs_entry_jumppad:
0x0: {  	(pc) =	sbr.rel $0x88, $3  }
0x1: {  	(tag) =	ssettag $0x0;
	lr =	simm.s32 $0x1  }
0x2: {  	[smem:$0x3F81] =	sst lr;
	_ =	strace $0xD0000000  }
0x3: {  	_ = 	snop  }
0x4: {  	_ = 	snop  }
0x5: {  	_ = 	snop  }
0x6: {  	_ = 	snop  }
0x7: {  	_ = 	snop  }
__scs_overlays_trampoline_lowered:
0x8: {  	[smem:$0x3F90] =	sst s0  }
0x9: {  	[smem:$0x3F91] =	sst s1  }
0xa: {  	[smem:$0x3F92] =	sst s2  }
0xb: {  	[smem:$0x3F93] =	sst s3  }
0xc: {  	[smem:$0x3F94] =	sst s4  }
0xd: {  	[smem:$0x3F95] =	sst s5  }
0xe: {  	[smem:$0x3F96] =	sst s6  }
0xf: {  	[smem:$0x3F97] =	sst s7  }
0x10: {  	[smem:$0x3F98] =	sst s8  }
0x11: {  	[smem:$0x3F99] =	sst s9;
	s0 =	simm.s32 @!p0 $0x0  }
0x12: {  	s1 =	sld [smem:$0x3F7F];
	s0 =	simm.s32 @p0 $0x1  }
0x13: {  	[smem:$0x3F9A] =	sst s0;
	s0 =	simm.s32 @!p1 $0x0  }
0x14: {  	s2 =	sld [smem:$0x3F7E];
	s0 =	simm.s32 @p1 $0x1  }
0x15: {  	[smem:$0x3F9B] =	sst s0;
	s0 =	simm.s32 @!p2 $0x0  }
0x16: {  	s3 =	sld [smem:$0x3FDB];
	s0 =	simm.s32 @p2 $0x1  }
0x17: {  	s4 =	simm.s32 $0x1BF5;
	[smem:$0x3F9D] =	sst s0  }
0x18: {  	s0 =	sld [smem:$0x3F80];
	_ =	swait.ge [sflag:s4], $0x0  }
0x19: {  	s7 =	sld [smem:$0x3F81]  }
0x1a: {  	s8 =	sadd.s32 $0xFFFFE003, lr  }
0x1b: {  	s9 =	sadd.s32 $0xFFFFFEF7, lr;
	s5 =	simm.s32 $0xFFFFFFFF;
	p2 =	slt.u32 s8, $0xFFFFF086  }
0x1c: {  	p1 =	slt.u32 s9, $0xF7A;
	s5 =	simm.s32 @!p2 $0x0  }
0x1d: {  	s5 =	simm.s32 @p1 $0x1;
	p0 =	seq.s32 s7, s2  }
0x1e: {  	s7 =	smul.u32 @!p0 $0xF7A, s2;
	p2 =	seq.s32 @!p0 s5, $0x0  }
0x1f: {  	s9 =	smul.u32 $0xF7A, s1;
	s8 =	simm.s32 @!p0 $0x1BF5;
	p2 =	por !p2, p0  }
0x20: {  	[sflag:s8] =	ssyncset.s32 @!p0 $0xFFFFF086;
	s6 =	sadd.s32 @!p0 s3, s7;
	s7 =	simm.s32 @!p0 $0x108  }
0x21: {  	s3 =	sadd.s32 s3, s9;
	s6 =	sadd.s32 @!p0 $0x88, s6;
	s7 =	simm.s32 @p2 $0x1082  }
0x22: {  	[simem:s7], [sflag:s8] =	dma.local @!p0 [hbm:s6], $0xF7A  }
0x23: {  	s9 =	sor.u32 $0xD0000000, s2;
	s6 =	simm.s32 $0x108;
	_ =	swait.ge @!p0 [sflag:s8], $0x0  }
0x24: {  	s3 =	sadd.s32 $0x88, s3;
	s6 =	simm.s32 @!p1 $0x1082;
	[sflag:s4] =	ssyncset.s32 $0xFFFFF086  }
0x25: {  	[simem:s6], [sflag:s4] =	dma.local [hbm:s3], $0xF7A  }
0x26: {  	[smem:$0x3F81] =	sst s1;
	(tag) =	ssettag s2;
	_ =	strace s9  }
0x27: {  	s1 =	sld [smem:$0x3F91]  }
0x28: {  	s2 =	sld [smem:$0x3F92]  }
0x29: {  	s4 =	sld [smem:$0x3F94]  }
0x2a: {  	p0 =	seq.s32 s5, $0x0;
	s5 =	sld [smem:$0x3F95]  }
0x2b: {  	s6 =	sld [smem:$0x3F96]  }
0x2c: {  	s7 =	sld [smem:$0x3F97]  }
0x2d: {  	s3 =	simm.s32 $0x108;
	s8 =	sld [smem:$0x3F98]  }
0x2e: {  	s3 =	simm.s32 @!p0 $0x1082;
	s9 =	sld [smem:$0x3F99]  }
0x2f: {  	lr =	sadd.s32 s0, s3;
	s0 =	sld [smem:$0x3F90]  }
0x30: {  	s3 =	sld [smem:$0x3F93]  }
0x31: {  	[smem:$0x3F9C] =	sst s10  }
0x32: {  	s10 =	sld [smem:$0x3F9A];
	_ =	sdelay $0x3  }
0x33: {  	p0 =	seq.s32 s10, $0x1;
	s10 =	sld [smem:$0x3F9C];
	_ =	sdelay $0x3  }
0x34: {  	[smem:$0x3F9C] =	sst s10  }
0x35: {  	s10 =	sld [smem:$0x3F9B];
	_ =	sdelay $0x3  }
0x36: {  	p1 =	seq.s32 s10, $0x1;
	s10 =	sld [smem:$0x3F9C];
	_ =	sdelay $0x3  }
0x37: {  	[smem:$0x3F9C] =	sst s10  }
0x38: {  	s10 =	sld [smem:$0x3F9D]  }
0x39: {  	_ = 	snop;
	(pc) =	sbr.ind lr, $3  }
0x3a: {  	_ = 	snop  }
0x3b: {  	_ = 	snop  }
0x3c: {  	p2 =	seq.s32 s10, $0x1;
	s10 =	sld [smem:$0x3F9C]  }
0x3d: {  	_ =	shalt  }
0x3e: {  	_ =	shalt  }
0x3f: {  	_ =	shalt  }
0x40: {  	_ =	shalt  }
0x41: {  	_ =	shalt  }
0x42: {  	_ =	shalt  }
0x43: {  	_ =	shalt  }
0x44: {  	_ =	shalt  }
0x45: {  	_ =	shalt  }
0x46: {  	_ =	shalt  }
0x47: {  	_ =	shalt  }
0x48: {  	_ =	shalt  }
0x49: {  	_ =	shalt  }
0x4a: {  	_ =	shalt  }
0x4b: {  	_ =	shalt  }
0x4c: {  	_ =	shalt  }
0x4d: {  	_ =	shalt  }
0x4e: {  	_ =	shalt  }
0x4f: {  	_ =	shalt  }
0x50: {  	_ =	shalt  }
0x51: {  	_ =	shalt  }
0x52: {  	_ =	shalt  }
0x53: {  	_ =	shalt  }
0x54: {  	_ =	shalt  }
0x55: {  	_ =	shalt  }
0x56: {  	_ =	shalt  }
0x57: {  	_ =	shalt  }
0x58: {  	_ =	shalt  }
0x59: {  	_ =	shalt  }
0x5a: {  	_ =	shalt  }
0x5b: {  	_ =	shalt  }
0x5c: {  	_ =	shalt  }
0x5d: {  	_ =	shalt  }
0x5e: {  	_ =	shalt  }
0x5f: {  	_ =	shalt  }
0x60: {  	_ =	shalt  }
0x61: {  	_ =	shalt  }
0x62: {  	_ =	shalt  }
0x63: {  	_ =	shalt  }
0x64: {  	_ =	shalt  }
0x65: {  	_ =	shalt  }
0x66: {  	_ =	shalt  }
0x67: {  	_ =	shalt  }
0x68: {  	_ =	shalt  }
0x69: {  	_ =	shalt  }
0x6a: {  	_ =	shalt  }
0x6b: {  	_ =	shalt  }
0x6c: {  	_ =	shalt  }
0x6d: {  	_ =	shalt  }
0x6e: {  	_ =	shalt  }
0x6f: {  	_ =	shalt  }
0x70: {  	_ =	shalt  }
0x71: {  	_ =	shalt  }
0x72: {  	_ =	shalt  }
0x73: {  	_ =	shalt  }
0x74: {  	_ =	shalt  }
0x75: {  	_ =	shalt  }
0x76: {  	_ =	shalt  }
0x77: {  	_ =	shalt  }
0x78: {  	_ =	shalt  }
0x79: {  	_ =	shalt  }
0x7a: {  	_ =	shalt  }
0x7b: {  	_ =	shalt  }
0x7c: {  	_ =	shalt  }
0x7d: {  	_ =	shalt  }
0x7e: {  	_ =	shalt  }
0x7f: {  	_ =	shalt  }
0x80: {  	_ =	shalt  }
0x81: {  	_ =	shalt  }
0x82: {  	_ =	shalt  }
0x83: {  	_ =	shalt  }
0x84: {  	_ =	shalt  }
0x85: {  	_ =	shalt  }
0x86: {  	_ =	shalt  }
0x87: {  	_ =	shalt  }
.Lfunc_end0:
.L_simem_size_0:
called_computation_lowered:
.L_overlay_start_0:
0x88: {  	s2 =	sld [smem:$0x3FD9]  }
0x89: {  	s3 =	sld [smem:$0x3FFE];
	_ =	sdelay $0x1  }
0x8a: {  	s1 =	srdreg.scid  }
0x8b: {  	s0 =	sand.u32 $0x1, s1  }
0x8c: {  	s17 =	sshll.u32 s0, $0xA;
	s2 =	sadd.s32 s3, s2  }
0x8d: {  	s2 =	sadd.s32 s2, s17  }
0x8e: {  	[smem:$0x3FA8] =	sst s2  }
0x8f: {  	_ = 	snop  }
0x90: {  	s2 =	sld [smem:$0x3FC9];
	(tm) =	ssettm $0x1  }
0x91: {  	s18 =	sld [smem:$0x3FFB];
	_ =	sdelay $0x3  }
0x92: {  	_ =	strace s18  }
0x93: {  	s3 =	sld [smem:$0x3FFC];
	_ =	sdelay $0x3  }
0x94: {  	_ =	strace s3  }
0x95: {  	s3 =	sld [smem:$0x3FFD];
	_ =	sdelay $0x3  }
0x96: {  	_ =	strace s3  }
0x97: {  	_ =	strace $0x8FFFFFFF  }
0x98: {  	s19 =	sld [smem:$0x3FDB];
	_ =	sdelay $0x1  }
0x99: {  	s4 =	simm.s32 $_scs_section_size  }
0x9a: {  	s5 =	simm.s32 $_size__tile_overlayer_lowered;
	s6 =	simm.s32 $_tile_overlayer_lowered  }
0x9b: {  	s22 =	simm.s32 $0x1BFF;
	s21 =	sshll.u32 s6, $0x1;
	s3 =	sadd.s32 s4, s19  }
0x9c: {  	s7 =	simm.s32 $0x0;
	s20 =	sshll.u32 s5, $0x1;
	s5 =	sadd.s32 s21, s3  }
0x9d: {  	[timem:s7], [sflag:s22] =	dma.local [hbm:s5], s20  }
0x9e: {  	_ =	swait.ge [sflag:s22], s20  }
0x9f: {  	s4 =	ssub.s32 $0x0, s20;
	[sflag:s22] =	ssyncset.done $0x0  }
0xa0: {  	[sflag:s22] =	ssyncadd.s32 s4;
	_ =	sdelay $0x1  }
0xa1: {  	s23 =	simm.s32 $0x1B8B  }
0xa2: {  	_ =	swait.ge [sflag:s23], $0x1  }
0xa3: {  	[sflag:s23] =	ssyncset.done $0x0  }
0xa4: {  	s25 =	simm.s32 $0x1B8E;
	s24 =	sld [smem:$0x3FFE];
	[sflag:s23] =	ssyncadd.s32 $0xFFFFFFFF  }
0xa5: {  	s26 =	simm.s32 $execute0_lowered;
	[smem:$0x3FD2] =	sst s25  }
0xa6: {  	s5 =	sshll.u32 s26, $0x1;
	_ =	strace $0x80000046;
	[dreg:$0x1] =	wrdreg $0xFFFFFFFF  }
0xa7: {  	s28 =	simm.s32 $_size_execute0_lowered;
	s3 =	sadd.s32 s3, s5;
	[dreg:$0x0] =	wrdreg $0x0  }
0xa8: {  	s5 =	sshll.u32 s28, $0x1;
	[dreg:$0x2] =	wrdreg s3  }
0xa9: {  	[dreg:$0x3] =	wrdreg s5  }
0xaa: {  	[dreg:$0x4] =	wrdreg $0xC0  }
0xab: {  	_ =	task [dreg:s7], $0x5FFFF  }
0xac: {  	[dreg:$0x1] =	wrdreg $0xFFFFFFFF  }
0xad: {  	[dreg:$0x0] =	wrdreg $0x60  }
0xae: {  	[dreg:$0x2] =	wrdreg s2  }
0xaf: {  	[dreg:$0x3] =	wrdreg s24  }
0xb0: {  	[dreg:$0x4] =	wrdreg $0xA8000  }
0xb1: {  	[dreg:$0x5] =	wrdreg $0x9  }
0xb2: {  	_ =	task.clear_ibuf [dreg:s7], $0x6FFFF;
	_ =	strace $0x90000046  }
0xb3: {  	s29 =	simm.s32 $0x9;
	_ =	strace $0x80000048  }
0xb4: {  	_ =	swait.ge [sflag:s29], $0x1  }
0xb5: {  	[sflag:s29] =	ssyncadd.s32 $0xFFFFFFFF  }
0xb6: {  	_ =	strace $0x90000048  }
0xb7: {  	_ =	sfence  }
0xb8: {  	s30 =	sld [smem:$0x0];
	_ =	sdelay $0x2  }
0xb9: {  	s31 =	sshll.u32 s1, $0xD;
	s1 =	sshrl.u32 s1, $0x2  }
0xba: {  	s3 =	sand.u32 $0x4000, s31;
	s1 =	sadd.s32 s1, s30  }
0xbb: {  	s0 =	sor.u32 s3, s0;
	s1 =	sshll.u32 s1, $0x11  }
0xbc: {  	s0 =	sor.u32 s1, s0  }
0xbd: {  	s0 =	sadd.s32 $0x8F2B, s0  }
0xbe: {  	[sflag:s0] =	ssyncadd.remote.s32 $0x1  }
0xbf: {  	_ =	sfence.sel $0xFFFF  }
0xc0: {  	[dreg:$0x0] =	wrdreg $0xFFFFFFFF;
	(pc) =	sbr.abs _section_cstart, $3  }
0xc1: {  	[dreg:$0x1] =	wrdreg $0xFFFFFFFF  }
0xc2: {  	_ =	task.clear_ibuf [dreg:s7], $0x2FFFF;
	_ =	strace $0x9FFFFFFF  }
0xc3: {  	(tm) =	ssettm $0x7FFFFFFF  }
tec
execute0_lowered:
.L_overlay_start_1:
0x0: {  	(tag) =	ssettag $0x1  }
0x1: {  	s1 =	rddreg [dreg:$0x0]  }
0x2: {  	s5 =	rddreg [dreg:$0x1]  }
0x3: {  	s2 =	rddreg [dreg:$0x2]  }
0x4: {  	s4 =	simm.s32 $0x0;
	s6 =	srdreg.scid;
	s0 =	stileid.u32  }
0x5: {  	s18 =	simm.s32 $0x3;
	s19 =	simm.s32 $0x1400;
	s20 =	simm.s32 $0x80  }
0x6: {  	s21 =	simm.s32 $0x6800;
	s22 =	simm.s32 $0x1;
	s23 =	simm.s32 $0x2  }
0x7: {  	s28 =	simm.s32 $0x2700;
	s29 =	simm.s32 $0x2780;
	[smem:$0x7FF] =	sst s4  }
0x8: {  	s15 =	sadd.s32 $0x4C00, s5;
	s9 =	sand.u32 $0x1, s6;
	s26 =	smul.u32 $0x4F000, s0  }
0x9: {  	s16 =	sadd.s32 $0xEC00, s5;
	s11 =	sadd.s32 $0x18C00, s5;
	s10 =	smul.u32 $0x13800, s0  }
0xa: {  	s17 =	smul.u32 $0x4E000, s0;
	s24 =	sadd.s32 $0x124800, s2;
	p0 =	seq.s32 s0, $0xF  }
0xb: {  	_ =	strace $0x80000047;
	s30 =	ssub.s32 $0x2, s9;
	s12 =	smul.u32 $0x138800, s9  }
0xc: {  	s14 =	sshll.u32 s9, $0x4;
	s24 =	sshrl.u32 @p0 s24, $0x3;
	s7 =	sshrl.u32 s30, $0x1  }
0xd: {  	s6 =	sshrl.u32 s26, $0x2;
	s14 =	sor.u32 s0, s14;
	s17 =	sshrl.u32 s17, $0x2  }
0xe: {  	s26 =	simm.s32 $0x1380;
	s13 =	ssub.s32 s30, s7;
	s5 =	sadd.s32 s6, s2  }
0xf: {  	s10 =	sadd.s32 s10, s12;
	s12 =	sshrl.u32 s12, $0x3;
	s25 =	sadd.s32 s17, s2  }
0x10: {  	s31 =	smul.u32 $0x500, s14;
	s3 =	sadd.s32 $0x4000, s5;
	s7 =	sadd.s32 $0x8000, s5  }
0x11: {  	s8 =	sadd.s32 $0xC000, s5;
	s9 =	sadd.s32 $0x10000, s5;
	s10 =	sshrl.u32 s10, $0x3  }
0x12: {  	s25 =	sshrl.u32 @!p0 s25, $0x3;
	[dreg:$0x4] =	wrdreg s3;
	s10 =	sadd.s32 s11, s10  }
0x13: {  	s11 =	sadd.s32 s11, s12;
	s12 =	smax.u32 s13, $0x1;
	s13 =	sadd.s32 s15, s31  }
0x14: {  	s14 =	sadd.s32 s16, s31;
	s17 =	sadd.s32 $0x280, s31;
	s11 =	sadd.s32 $0x24900, s11  }
0x15: {  	v0 =	vimm.f32 $0.0e+00;
	s15 =	sadd.s32 s15, s17;
	s16 =	sadd.s32 s16, s17;
	s17 =	simm.s32 $0x2800  }
.LBB2_1:
0x16: {  	s30 =	simm.s32 $0x0;
	s31 =	simm.s32 $0x200  }
.LBB2_2:
0x17: {  	p1 =	sne.s32 s31, $0xFE00;
	[tilespmem:s30+$0x2870] =	vst v0  }
0x18: {  	[tilespmem:s30+$0x2800] =	vst v0  }
0x19: {  	[tilespmem:s30+$0x2810] =	vst v0  }
.Ltmp0:
0x1a: {  	[tilespmem:s30+$0x2820] =	vst v0;
	(pc) =	sbr.rel @p1 .LBB2_2-.Ltmp0, $4  }
0x1b: {  	[tilespmem:s30+$0x2830] =	vst v0  }
0x1c: {  	[tilespmem:s30+$0x2840] =	vst v0  }
0x1d: {  	[tilespmem:s30+$0x2850] =	vst v0  }
0x1e: {  	[tilespmem:s30+$0x2860] =	vst v0;
	s30 =	sshra.s32 s31, $0x2;
	s31 =	sadd.s32 $0x200, s31  }
0x1f: {  	[tilespmem:s30+$0x2870] =	vst v0  }
0x20: {  	[tilespmem:s30+$0x2800] =	vst v0  }
0x21: {  	[tilespmem:s30+$0x2810] =	vst v0  }
0x22: {  	[tilespmem:s30+$0x2820] =	vst v0  }
0x23: {  	[tilespmem:s30+$0x2830] =	vst v0  }
0x24: {  	[tilespmem:s30+$0x2840] =	vst v0  }
0x25: {  	[tilespmem:s30+$0x2850] =	vst v0  }
0x26: {  	[tilespmem:s30+$0x2860] =	vst v0  }
0x27: {  	[spmem:s5] =	stream.linear.scatter [tilespmem:s17], [sflag:$0x3], $0x4000, $0x38;
	[tilespmem:$0x1E400] =	vst v63  }
0x28: {  	_ =	swait.ge [sflag:s18], $0x4000  }
0x29: {  	[sflag:s18] =	ssyncset.done $0x0  }
0x2a: {  	s0 =	rddreg [dreg:$0x4];
	[sflag:s18] =	ssyncadd.s32 $0xFFFFC000  }
0x2b: {  	[spmem:s0] =	stream.linear.scatter [tilespmem:s17], [sflag:$0x3], $0x4000, $0x38;
	[tilespmem:$0x1E400] =	vst v63  }
0x2c: {  	_ =	swait.ge [sflag:s18], $0x4000  }
0x2d: {  	[sflag:s18] =	ssyncset.done $0x0  }
0x2e: {  	[sflag:s18] =	ssyncadd.s32 $0xFFFFC000  }
0x2f: {  	[spmem:s7] =	stream.linear.scatter [tilespmem:s17], [sflag:$0x3], $0x4000, $0x38;
	[tilespmem:$0x1E400] =	vst v63  }
0x30: {  	_ =	swait.ge [sflag:s18], $0x4000  }
0x31: {  	[sflag:s18] =	ssyncset.done $0x0  }
0x32: {  	[sflag:s18] =	ssyncadd.s32 $0xFFFFC000  }
0x33: {  	[spmem:s8] =	stream.linear.scatter [tilespmem:s17], [sflag:$0x3], $0x4000, $0x38;
	[tilespmem:$0x1E400] =	vst v63  }
0x34: {  	_ =	swait.ge [sflag:s18], $0x4000  }
0x35: {  	[sflag:s18] =	ssyncset.done $0x0  }
0x36: {  	[sflag:s18] =	ssyncadd.s32 $0xFFFFC000  }
0x37: {  	[spmem:s9] =	stream.linear.scatter [tilespmem:s17], [sflag:$0x3], $0x3C00, $0x38;
	[tilespmem:$0x1E400] =	vst v63  }
0x38: {  	_ =	swait.ge [sflag:s18], $0x3C00  }
0x39: {  	[sflag:s18] =	ssyncset.done $0x0  }
0x3a: {  	[sflag:s18] =	ssyncadd.s32 $0xFFFFC400  }
0x3b: {  	s30 =	simm.s32 $0x0;
	[bflag:$0x0] =	sbarrier.arrive $0xFFFF  }
0x3c: {  	[tilespmem:s30], [sflag:$0x3] =	stream.linear.gather [hbm4b:s13+s30], $0x1400, $0x38;
	[tilespmem:$0x1E400] =	vst v63  }
0x3d: {  	_ =	swait.ge [sflag:s18], $0x1400  }
0x3e: {  	[sflag:s18] =	ssyncset.done $0x0  }
0x3f: {  	[sflag:s18] =	ssyncadd.s32 $0xFFFFEC00  }
0x40: {  	[tilespmem:s19], [sflag:$0x3] =	stream.linear.gather [hbm4b:s14+s30], $0x1400, $0x38;
	[tilespmem:$0x1E400] =	vst v63  }
0x41: {  	_ =	swait.ge [sflag:s18], $0x1400  }
0x42: {  	[sflag:s18] =	ssyncset.done $0x0  }
0x43: {  	[sflag:s18] =	ssyncadd.s32 $0xFFFFEC00  }
0x44: {  	[tilespmem:s17], [sflag:$0x1] =	stream.indirect.gather [hbm4b:s1+s20], $0x80, s30, s20, $0xb8;
	[tilespmem:$0x1E400] =	vst v63  }
0x45: {  	s30 =	simm.s32 $0x80  }
0x46: {  	[tilespmem:s21], [sflag:$0x2] =	stream.indirect.gather [hbm4b:s1+s20], $0x80, s30, s20, $0xb8;
	[tilespmem:$0x1E400] =	vst v63  }
0x47: {  	_ =	swait.ge [sflag:s22], $0x4000  }
0x48: {  	[sflag:s22] =	ssyncset.done $0x0  }
0x49: {  	s30 =	simm.s32 $0x1400;
	[sflag:s22] =	ssyncadd.s32 $0xFFFFC000  }
0x4a: {  	[spmem:s2] =	stream.indirect.scatter.add.f32 [tilespmem:s17], [sflag:$0x3], $0x80, s30, s20, $0xb8;
	[tilespmem:$0x1E400] =	vst v63  }
0x4b: {  	_ =	swait.ge [sflag:s18], $0x4000  }
0x4c: {  	[sflag:s18] =	ssyncset.done $0x0  }
0x4d: {  	s30 =	simm.s32 $0x100;
	[sflag:s18] =	ssyncadd.s32 $0xFFFFC000  }
0x4e: {  	[tilespmem:s17], [sflag:$0x1] =	stream.indirect.gather [hbm4b:s1+s20], $0x80, s30, s20, $0xb8;
	[tilespmem:$0x1E400] =	vst v63  }
0x4f: {  	_ =	swait.ge [sflag:s23], $0x4000  }
0x50: {  	[sflag:s23] =	ssyncset.done $0x0  }
0x51: {  	s30 =	simm.s32 $0x1480;
	[sflag:s23] =	ssyncadd.s32 $0xFFFFC000  }
0x52: {  	[spmem:s2] =	stream.indirect.scatter.add.f32 [tilespmem:s21], [sflag:$0x3], $0x80, s30, s20, $0xb8;
	[tilespmem:$0x1E400] =	vst v63  }
0x53: {  	_ =	swait.ge [sflag:s18], $0x4000  }
0x54: {  	s31 =	simm.s32 $0x800;
	s30 =	simm.s32 $0x100;
	[sflag:s18] =	ssyncset.done $0x0  }
.LBB2_4:
0x55: {  	s0 =	sadd.s32 $0x80, s30  }
0x56: {  	[sflag:s18] =	ssyncadd.s32 $0xFFFFC000;
	s3 =	smov.u32 s31;
	s6 =	sadd.s32 $0x400, s31  }
0x57: {  	[tilespmem:s21], [sflag:$0x2] =	stream.indirect.gather [hbm4b:s1+s20], $0x80, s0, s20, $0xb8;
	[tilespmem:$0x1E400] =	vst v63  }
0x58: {  	p1 =	sne.s32 s31, $0x4800;
	_ =	swait.ge [sflag:s22], $0x4000  }
0x59: {  	[sflag:s22] =	ssyncset.done $0x0  }
0x5a: {  	s0 =	sadd.s32 $0x1400, s30;
	[sflag:s22] =	ssyncadd.s32 $0xFFFFC000  }
0x5b: {  	[spmem:s2] =	stream.indirect.scatter.add.f32 [tilespmem:s17], [sflag:$0x3], $0x80, s0, s20, $0xb8;
	[tilespmem:$0x1E400] =	vst v63  }
0x5c: {  	_ =	swait.ge [sflag:s18], $0x4000  }
0x5d: {  	[sflag:s18] =	ssyncset.done $0x0  }
0x5e: {  	s0 =	sadd.s32 $0x100, s30;
	[sflag:s18] =	ssyncadd.s32 $0xFFFFC000  }
0x5f: {  	[tilespmem:s17], [sflag:$0x1] =	stream.indirect.gather [hbm4b:s1+s20], $0x80, s0, s20, $0xb8;
	[tilespmem:$0x1E400] =	vst v63  }
0x60: {  	_ =	swait.ge [sflag:s23], $0x4000  }
.Ltmp1:
0x61: {  	[sflag:s23] =	ssyncset.done $0x0;
	(pc) =	sbr.rel @p1 .LBB2_4-.Ltmp1, $4  }
0x62: {  	s0 =	sadd.s32 $0x1480, s30;
	[sflag:s23] =	ssyncadd.s32 $0xFFFFC000  }
0x63: {  	[spmem:s2] =	stream.indirect.scatter.add.f32 [tilespmem:s21], [sflag:$0x3], $0x80, s0, s20, $0xb8;
	[tilespmem:$0x1E400] =	vst v63  }
0x64: {  	_ =	swait.ge [sflag:s18], $0x4000  }
0x65: {  	s31 =	smov.u32 s6;
	s30 =	sshra.s32 s3, $0x2;
	[sflag:s18] =	ssyncset.done $0x0  }
0x66: {  	s0 =	sadd.s32 $0x80, s30;
	[sflag:s18] =	ssyncadd.s32 $0xFFFFC000  }
0x67: {  	[tilespmem:s21], [sflag:$0x2] =	stream.indirect.gather [hbm4b:s1+s20], $0x80, s0, s20, $0xb8;
	[tilespmem:$0x1E400] =	vst v63  }
0x68: {  	_ =	swait.ge [sflag:s22], $0x4000  }
0x69: {  	[sflag:s22] =	ssyncset.done $0x0  }
0x6a: {  	s3 =	sadd.s32 $0x1400, s30;
	[sflag:s22] =	ssyncadd.s32 $0xFFFFC000  }
0x6b: {  	[spmem:s2] =	stream.indirect.scatter.add.f32 [tilespmem:s17], [sflag:$0x3], $0x80, s3, s20, $0xb8;
	[tilespmem:$0x1E400] =	vst v63  }
0x6c: {  	_ =	swait.ge [sflag:s18], $0x4000  }
0x6d: {  	[sflag:s18] =	ssyncset.done $0x0  }
0x6e: {  	s6 =	sadd.s32 $0x100, s30;
	[sflag:s18] =	ssyncadd.s32 $0xFFFFC000  }
0x6f: {  	[tilespmem:s17], [sflag:$0x1] =	stream.indirect.gather [hbm4b:s1+s20], $0x80, s6, s20, $0xb8;
	[tilespmem:$0x1E400] =	vst v63  }
0x70: {  	_ =	swait.ge [sflag:s23], $0x4000  }
0x71: {  	[sflag:s23] =	ssyncset.done $0x0  }
0x72: {  	s3 =	sadd.s32 $0x1480, s30;
	[sflag:s23] =	ssyncadd.s32 $0xFFFFC000  }
0x73: {  	[spmem:s2] =	stream.indirect.scatter.add.f32 [tilespmem:s21], [sflag:$0x3], $0x80, s3, s20, $0xb8;
	[tilespmem:$0x1E400] =	vst v63  }
0x74: {  	_ =	swait.ge [sflag:s18], $0x4000  }
0x75: {  	[sflag:s18] =	ssyncset.done $0x0  }
0x76: {  	[sflag:s18] =	ssyncadd.s32 $0xFFFFC000  }
0x77: {  	[tilespmem:s21], [sflag:$0x2] =	stream.indirect.gather [hbm4b:s1+s20], $0x80, s26, s20, $0xb8;
	[tilespmem:$0x1E400] =	vst v63  }
0x78: {  	_ =	swait.ge [sflag:s22], $0x4000  }
0x79: {  	[sflag:s22] =	ssyncset.done $0x0  }
0x7a: {  	[sflag:s22] =	ssyncadd.s32 $0xFFFFC000  }
0x7b: {  	[spmem:s2] =	stream.indirect.scatter.add.f32 [tilespmem:s17], [sflag:$0x3], $0x80, s28, s20, $0xb8;
	[tilespmem:$0x1E400] =	vst v63  }
0x7c: {  	_ =	swait.ge [sflag:s18], $0x4000  }
0x7d: {  	[sflag:s18] =	ssyncset.done $0x0  }
0x7e: {  	[sflag:s18] =	ssyncadd.s32 $0xFFFFC000  }
0x7f: {  	_ =	swait.ge [sflag:s23], $0x4000  }
0x80: {  	[sflag:s23] =	ssyncset.done $0x0  }
0x81: {  	[sflag:s23] =	ssyncadd.s32 $0xFFFFC000  }
0x82: {  	[spmem:s2] =	stream.indirect.scatter.add.f32 [tilespmem:s21], [sflag:$0x3], $0x80, s29, s20, $0xb8;
	[tilespmem:$0x1E400] =	vst v63  }
0x83: {  	_ =	swait.ge [sflag:s18], $0x4000  }
0x84: {  	[sflag:s18] =	ssyncset.done $0x0  }
0x85: {  	s6 =	simm.s32 $0x0;
	[sflag:s18] =	ssyncadd.s32 $0xFFFFC000  }
0x86: {  	[tilespmem:s6], [sflag:$0x3] =	stream.linear.gather [hbm4b:s15+s6], $0x1400, $0x38;
	[tilespmem:$0x1E400] =	vst v63  }
0x87: {  	_ =	swait.ge [sflag:s18], $0x1400  }
0x88: {  	[sflag:s18] =	ssyncset.done $0x0  }
0x89: {  	[sflag:s18] =	ssyncadd.s32 $0xFFFFEC00  }
0x8a: {  	[tilespmem:s19], [sflag:$0x3] =	stream.linear.gather [hbm4b:s16+s6], $0x1400, $0x38;
	[tilespmem:$0x1E400] =	vst v63  }
0x8b: {  	_ =	swait.ge [sflag:s18], $0x1400  }
0x8c: {  	[sflag:s18] =	ssyncset.done $0x0  }
0x8d: {  	[sflag:s18] =	ssyncadd.s32 $0xFFFFEC00  }
0x8e: {  	[tilespmem:s17], [sflag:$0x1] =	stream.indirect.gather [hbm4b:s1+s20], $0x80, s6, s20, $0xb8;
	[tilespmem:$0x1E400] =	vst v63  }
0x8f: {  	s3 =	simm.s32 $0x80  }
0x90: {  	[tilespmem:s21], [sflag:$0x2] =	stream.indirect.gather [hbm4b:s1+s20], $0x80, s3, s20, $0xb8;
	[tilespmem:$0x1E400] =	vst v63  }
0x91: {  	_ =	swait.ge [sflag:s22], $0x4000  }
0x92: {  	[sflag:s22] =	ssyncset.done $0x0  }
0x93: {  	s6 =	simm.s32 $0x1400;
	[sflag:s22] =	ssyncadd.s32 $0xFFFFC000  }
0x94: {  	[spmem:s2] =	stream.indirect.scatter.add.f32 [tilespmem:s17], [sflag:$0x3], $0x80, s6, s20, $0xb8;
	[tilespmem:$0x1E400] =	vst v63  }
0x95: {  	_ =	swait.ge [sflag:s18], $0x4000  }
0x96: {  	[sflag:s18] =	ssyncset.done $0x0  }
0x97: {  	s3 =	simm.s32 $0x100;
	[sflag:s18] =	ssyncadd.s32 $0xFFFFC000  }
0x98: {  	[tilespmem:s17], [sflag:$0x1] =	stream.indirect.gather [hbm4b:s1+s20], $0x80, s3, s20, $0xb8;
	[tilespmem:$0x1E400] =	vst v63  }
0x99: {  	_ =	swait.ge [sflag:s23], $0x4000  }
0x9a: {  	[sflag:s23] =	ssyncset.done $0x0  }
0x9b: {  	s6 =	simm.s32 $0x1480;
	[sflag:s23] =	ssyncadd.s32 $0xFFFFC000  }
0x9c: {  	[spmem:s2] =	stream.indirect.scatter.add.f32 [tilespmem:s21], [sflag:$0x3], $0x80, s6, s20, $0xb8;
	[tilespmem:$0x1E400] =	vst v63  }
0x9d: {  	_ =	swait.ge [sflag:s18], $0x4000  }
0x9e: {  	s31 =	simm.s32 $0x800;
	s30 =	simm.s32 $0x100;
	[sflag:s18] =	ssyncset.done $0x0  }
.LBB2_6:
0x9f: {  	s0 =	sadd.s32 $0x80, s30  }
0xa0: {  	[sflag:s18] =	ssyncadd.s32 $0xFFFFC000;
	s3 =	smov.u32 s31;
	s6 =	sadd.s32 $0x400, s31  }
0xa1: {  	[tilespmem:s21], [sflag:$0x2] =	stream.indirect.gather [hbm4b:s1+s20], $0x80, s0, s20, $0xb8;
	[tilespmem:$0x1E400] =	vst v63  }
0xa2: {  	p1 =	sne.s32 s31, $0x4800;
	_ =	swait.ge [sflag:s22], $0x4000  }
0xa3: {  	[sflag:s22] =	ssyncset.done $0x0  }
0xa4: {  	s0 =	sadd.s32 $0x1400, s30;
	[sflag:s22] =	ssyncadd.s32 $0xFFFFC000  }
0xa5: {  	[spmem:s2] =	stream.indirect.scatter.add.f32 [tilespmem:s17], [sflag:$0x3], $0x80, s0, s20, $0xb8;
	[tilespmem:$0x1E400] =	vst v63  }
0xa6: {  	_ =	swait.ge [sflag:s18], $0x4000  }
0xa7: {  	[sflag:s18] =	ssyncset.done $0x0  }
0xa8: {  	s0 =	sadd.s32 $0x100, s30;
	[sflag:s18] =	ssyncadd.s32 $0xFFFFC000  }
0xa9: {  	[tilespmem:s17], [sflag:$0x1] =	stream.indirect.gather [hbm4b:s1+s20], $0x80, s0, s20, $0xb8;
	[tilespmem:$0x1E400] =	vst v63  }
0xaa: {  	_ =	swait.ge [sflag:s23], $0x4000  }
.Ltmp2:
0xab: {  	[sflag:s23] =	ssyncset.done $0x0;
	(pc) =	sbr.rel @p1 .LBB2_6-.Ltmp2, $4  }
0xac: {  	s0 =	sadd.s32 $0x1480, s30;
	[sflag:s23] =	ssyncadd.s32 $0xFFFFC000  }
0xad: {  	[spmem:s2] =	stream.indirect.scatter.add.f32 [tilespmem:s21], [sflag:$0x3], $0x80, s0, s20, $0xb8;
	[tilespmem:$0x1E400] =	vst v63  }
0xae: {  	_ =	swait.ge [sflag:s18], $0x4000  }
0xaf: {  	s31 =	smov.u32 s6;
	s30 =	sshra.s32 s3, $0x2;
	[sflag:s18] =	ssyncset.done $0x0  }
0xb0: {  	s0 =	sadd.s32 $0x80, s30;
	[sflag:s18] =	ssyncadd.s32 $0xFFFFC000  }
0xb1: {  	[tilespmem:s21], [sflag:$0x2] =	stream.indirect.gather [hbm4b:s1+s20], $0x80, s0, s20, $0xb8;
	[tilespmem:$0x1E400] =	vst v63  }
0xb2: {  	_ =	swait.ge [sflag:s22], $0x4000  }
0xb3: {  	[sflag:s22] =	ssyncset.done $0x0  }
0xb4: {  	s3 =	sadd.s32 $0x1400, s30;
	[sflag:s22] =	ssyncadd.s32 $0xFFFFC000  }
0xb5: {  	[spmem:s2] =	stream.indirect.scatter.add.f32 [tilespmem:s17], [sflag:$0x3], $0x80, s3, s20, $0xb8;
	[tilespmem:$0x1E400] =	vst v63  }
0xb6: {  	_ =	swait.ge [sflag:s18], $0x4000  }
0xb7: {  	[sflag:s18] =	ssyncset.done $0x0  }
0xb8: {  	s6 =	sadd.s32 $0x100, s30;
	[sflag:s18] =	ssyncadd.s32 $0xFFFFC000  }
0xb9: {  	[tilespmem:s17], [sflag:$0x1] =	stream.indirect.gather [hbm4b:s1+s20], $0x80, s6, s20, $0xb8;
	[tilespmem:$0x1E400] =	vst v63  }
0xba: {  	_ =	swait.ge [sflag:s23], $0x4000  }
0xbb: {  	[sflag:s23] =	ssyncset.done $0x0  }
0xbc: {  	s31 =	sadd.s32 $0x1480, s30;
	[sflag:s23] =	ssyncadd.s32 $0xFFFFC000  }
0xbd: {  	[spmem:s2] =	stream.indirect.scatter.add.f32 [tilespmem:s21], [sflag:$0x3], $0x80, s31, s20, $0xb8;
	[tilespmem:$0x1E400] =	vst v63  }
0xbe: {  	_ =	swait.ge [sflag:s18], $0x4000  }
0xbf: {  	[sflag:s18] =	ssyncset.done $0x0  }
0xc0: {  	[sflag:s18] =	ssyncadd.s32 $0xFFFFC000  }
0xc1: {  	[tilespmem:s21], [sflag:$0x2] =	stream.indirect.gather [hbm4b:s1+s20], $0x80, s26, s20, $0xb8;
	[tilespmem:$0x1E400] =	vst v63  }
0xc2: {  	_ =	swait.ge [sflag:s22], $0x4000  }
0xc3: {  	[sflag:s22] =	ssyncset.done $0x0  }
0xc4: {  	[sflag:s22] =	ssyncadd.s32 $0xFFFFC000  }
0xc5: {  	[spmem:s2] =	stream.indirect.scatter.add.f32 [tilespmem:s17], [sflag:$0x3], $0x80, s28, s20, $0xb8;
	[tilespmem:$0x1E400] =	vst v63  }
0xc6: {  	_ =	swait.ge [sflag:s18], $0x4000  }
0xc7: {  	[sflag:s18] =	ssyncset.done $0x0  }
0xc8: {  	[sflag:s18] =	ssyncadd.s32 $0xFFFFC000  }
0xc9: {  	_ =	swait.ge [sflag:s23], $0x4000  }
0xca: {  	[sflag:s23] =	ssyncset.done $0x0  }
0xcb: {  	[sflag:s23] =	ssyncadd.s32 $0xFFFFC000  }
0xcc: {  	[spmem:s2] =	stream.indirect.scatter.add.f32 [tilespmem:s21], [sflag:$0x3], $0x80, s29, s20, $0xb8;
	[tilespmem:$0x1E400] =	vst v63  }
0xcd: {  	_ =	swait.ge [sflag:s18], $0x4000  }
0xce: {  	[sflag:s18] =	ssyncset.done $0x0  }
0xcf: {  	[sflag:s18] =	ssyncadd.s32 $0xFFFFC000  }
0xd0: {  	s0 =	simm.s32 @p0 $0x1FC3;
	[bflag:$0x0] =	sbarrier.arrive $0xFFFF  }
0xd1: {  	[hbm:s11], [sflag:s0] =	dma.local @p0 [spmem:s24], $0x2800  }
0xd2: {  	s0 =	simm.s32 @p0 $0x3  }
0xd3: {  	s3 =	stileid.u32;
	_ =	swait.ge @p0 [sflag:s0], $0x2800  }
0xd4: {  	s4 =	sadd.s32 $0x1, s4;
	s3 =	sshll.u32 @!p0 s3, $0x6;
	[sflag:s0] =	ssyncset.done @p0 $0x0  }
0xd5: {  	p1 =	sne.s32 s4, s12;
	[sflag:s0] =	ssyncadd.s32 @p0 $0xFFFFD800;
	s0 =	sor.u32 @!p0 $0x1C03, s3  }
0xd6: {  	[hbm:s10], [sflag:s0] =	dma.local @!p0 [spmem:s25], $0x2700  }
.Ltmp3:
0xd7: {  	_ = 	snop;
	(pc) =	sbr.rel @p1 .LBB2_1-.Ltmp3, $4  }
0xd8: {  	s0 =	simm.s32 @!p0 $0x3  }
0xd9: {  	_ =	swait.ge @!p0 [sflag:s0], $0x2700  }
0xda: {  	[sflag:s0] =	ssyncset.done @!p0 $0x0  }
0xdb: {  	[sflag:s0] =	ssyncadd.s32 @!p0 $0xFFFFD900  }
0xdc: {  	_ =	sfence.sel $0x180000  }
0xdd: {  	[bflag:$0x0] =	sbarrier.arrive $0xFFFF  }
0xde: {  	_ =	strace $0x90000047  }
0xdf: {  	s0 =	stileid.u32;
	[bflag:$0x2] =	sbarrier.arrive $0xFFFF  }
0xe0: {  	p0 =	sne.s32 s0, $0x0;
	s0 =	rddreg [dreg:$0x3]  }
0xe1: {  	s0 =	sadd.s32 @!p0 $0x100000, s0  }
0xe2: {  	[sflag:s0] =	ssyncadd.tile.s32 @!p0 $0x1;
	_ =	shalt  }
.Lfunc_end2:
_tile_overlayer_lowered:
.L_overlay_start_2:
0xe3: {  	(tag) =	ssettag $0x2  }
0xe4: {  	s0 =	rddreg [dreg:$0x0];
	s2 =	stileid.u32  }
0xe5: {  	s1 =	rddreg [dreg:$0x1];
	p0 =	sne.s32 s2, $0x0  }
0xe6: {  	s3 =	rddreg [dreg:$0x2];
	[bflag:$0x3] =	sbarrier.arrive $0xFFFF;
	s2 =	simm.s32 @!p0 $0x1C03  }
0xe7: {  	[timem:s3], [sflag:s2] =	dma.local @!p0 [hbm:s0], s1  }
0xe8: {  	s0 =	simm.s32 @!p0 $0x3  }
0xe9: {  	_ =	swait.ge @!p0 [sflag:s0], s1  }
0xea: {  	s1 =	ssub.s32 @!p0 $0x0, s1;
	[sflag:s0] =	ssyncset.done @!p0 $0x0  }
0xeb: {  	[sflag:s0] =	ssyncadd.s32 @!p0 s1  }
0xec: {  	[bflag:$0x3] =	sbarrier.arrive $0xFFFF  }
0xed: {  	_ =	shalt  }

</sc_bundles>
